<compile_context>
chip_gen: v7x
topology: tpu7x:2x2x1
jax: 0.10.2.dev20260603
libtpu: 0.0.44.dev20260713+nightly
codegen_flags: <defaults>
</compile_context>

<pallas_src>
import functools

import jax
import jax.numpy as jnp
from jax import lax
from jax.experimental import pallas as pl
from jax.experimental.pallas import tpu as pltpu
from jax.experimental.pallas import tpu_sc as plsc

E = 8
IN_DIM = 128
HID = 256
TILE = 512
@functools.lru_cache(maxsize=None)
def _sc_workers():
    info = plsc.get_sparse_core_info()
    return info.num_cores, info.num_subcores


def _routing_metadata(c_flat, n_tokens):
    ids = jnp.arange(E, dtype=jnp.int32)
    oh = (c_flat[:, None] == ids[None, :]).astype(jnp.int32)
    counts = oh.sum(axis=0)
    rank = (jnp.cumsum(oh, axis=0) * oh).sum(axis=1) - 1
    nt = (counts + TILE - 1) // TILE
    cum_nt = jnp.cumsum(nt)
    tile_base = jnp.concatenate(
        [jnp.zeros((1,), jnp.int32), cum_nt[:-1].astype(jnp.int32)])
    off_pad = tile_base * TILE
    dest = (oh * off_pad[None, :]).sum(axis=1) + rank
    num_tiles = n_tokens // TILE + E
    t_range = jnp.arange(num_tiles, dtype=jnp.int32)
    tile_expert = (t_range[:, None] >= cum_nt[None, :]).sum(
        axis=1).astype(jnp.int32)
    return dest, tile_expert, num_tiles


_LOG2E = 1.4426950408889634
_LN2 = 0.6931471805599453


def _softplus2(y):
    a = jnp.abs(y)
    t = jnp.exp2(-a)
    return lax.max(y, 0.0) + jnp.log2(1.0 + t)


def _mlp_body(te_ref, x_ref, w1_ref, w234_ref, b14_ref, w5_ref, b5_ref,
              out_ref):
    t = pl.program_id(0)

    @pl.when(te_ref[t] < E)
    def _():
        h = x_ref[...]
        h = _softplus2(
            jnp.dot(h, w1_ref[0], preferred_element_type=jnp.float32)
            + b14_ref[0, 0][None, :])
        for i in range(3):
            h = _softplus2(
                jnp.dot(h, w234_ref[0, i],
                        preferred_element_type=jnp.float32)
                + b14_ref[0, i + 1][None, :])
        e8 = lax.dot_general(w5_ref[0], h, (((1,), (1,)), ((), ())),
                             preferred_element_type=jnp.float32)
        out_ref[0, :, :] = e8[0:1, :] + b5_ref[0, 0, 0]


def _expert_mlp(x_sorted, tile_expert, num_tiles,
                W1, b1, W2, b2, W3, b3, W4, b4, W5, b5):
    w1s = W1 * _LOG2E
    w234 = jnp.stack([W2, W3, W4], axis=1)
    b14 = jnp.stack([b1, b2, b3, b4], axis=1) * _LOG2E
    w5s = jnp.broadcast_to(
        W5[:, None, :, 0], (E, 8, HID)) * _LN2

    def wmap3(t, te):
        return (jnp.minimum(te[t], E - 1), 0, 0)

    def wmap4(t, te):
        return (jnp.minimum(te[t], E - 1), 0, 0, 0)

    grid_spec = pltpu.PrefetchScalarGridSpec(
        num_scalar_prefetch=1,
        grid=(num_tiles,),
        in_specs=[
            pl.BlockSpec((TILE, IN_DIM),
                         lambda t, te: (jnp.where(te[t] < E, t, 0), 0)),
            pl.BlockSpec((1, IN_DIM, HID), wmap3),
            pl.BlockSpec((1, 3, HID, HID), wmap4),
            pl.BlockSpec((1, 4, HID), wmap3),
            pl.BlockSpec((1, 8, HID), wmap3),
            pl.BlockSpec((1, 1, 1),
                         lambda t, te: (jnp.minimum(te[t], E - 1), 0, 0),
                         memory_space=pltpu.SMEM),
        ],
        out_specs=pl.BlockSpec((1, 1, TILE), lambda t, te: (t, 0, 0)),
    )
    out = pl.pallas_call(
        _mlp_body,
        grid_spec=grid_spec,
        out_shape=jax.ShapeDtypeStruct((num_tiles, 1, TILE), jnp.float32),
        compiler_params=pltpu.CompilerParams(
            dimension_semantics=("arbitrary",)),
    )(tile_expert, x_sorted, w1s, w234, b14, w5s, b5[:, :, None])
    return out.reshape(-1)


def _sc_scatter(x_flat, scat_idx, padded_n, n_tokens):
    NC, NS = _sc_workers()
    NW = NC * NS
    per_w = n_tokens // NW
    kch = per_w // 128
    mesh = plsc.VectorSubcoreMesh(core_axis_name="c", subcore_axis_name="s")

    @functools.partial(
        pl.kernel, mesh=mesh,
        out_type=jax.ShapeDtypeStruct((padded_n, IN_DIM), jnp.float32),
        scratch_types=[
            pltpu.VMEM((kch, 128), jnp.int32),
            pltpu.VMEM((per_w, IN_DIM), jnp.float32),
            [pltpu.SemaphoreType.DMA] * 4,
            pltpu.SemaphoreType.DMA,
        ],
    )
    def k(x_hbm, idx_hbm, out_hbm, idx_v, rows_v, sin, sout):
        wid = lax.axis_index("s") * NC + lax.axis_index("c")
        base = wid * per_w
        pltpu.sync_copy(idx_hbm.at[wid], idx_v)
        ins = []
        for j in range(kch):
            ins.append(pltpu.async_copy(
                x_hbm.at[pl.ds(base + j * 128, 128), :],
                rows_v.at[pl.ds(j * 128, 128), :],
                sin[j % 4]))
        outs = []
        for j in range(kch):
            ins[j].wait()
            outs.append(pltpu.async_copy(
                rows_v.at[pl.ds(j * 128, 128), :],
                out_hbm.at[idx_v.at[j]],
                sout))
        for o in outs:
            o.wait()

    return k(x_flat, scat_idx)


def _sc_combine(energies, gidx, n_mol):
    NC, NS = _sc_workers()
    padded_n = energies.shape[0]
    n_atoms = gidx.shape[1]
    e2 = energies.reshape(padded_n // 128, 128)
    mesh = plsc.VectorSubcoreMesh(core_axis_name="c", subcore_axis_name="s")

    @functools.partial(
        pl.kernel, mesh=mesh,
        out_type=jax.ShapeDtypeStruct((n_mol,), jnp.float32),
        scratch_types=[
            pltpu.VMEM((padded_n // 128, 128), jnp.float32),
            pltpu.VMEM((n_atoms, 16), jnp.int32),
            pltpu.VMEM((16,), jnp.float32),
        ],
        compiler_params=pltpu.CompilerParams(needs_layout_passes=False),
    )
    def k(e_hbm, gidx_hbm, out_hbm, e_v, idx_v, acc_v):
        wid = lax.axis_index("s") * NC + lax.axis_index("c")
        pltpu.sync_copy(e_hbm, e_v)
        pltpu.sync_copy(gidx_hbm.at[wid], idx_v)
        acc = jnp.zeros((16,), jnp.float32)
        for a in range(n_atoms):
            slot = idx_v[a]
            acc = acc + plsc.load_gather(
                e_v, [slot >> 7, slot & 127])
        acc_v[...] = acc
        pltpu.sync_copy(acc_v, out_hbm.at[pl.ds(wid * 16, 16)])

    return k(e2, gidx)


def kernel(x, charges, W1, b1, W2, b2, W3, b3, W4, b4, W5, b5):
    batch, n_atoms, d = x.shape
    n_tokens = batch * n_atoms
    x_flat = x.reshape(n_tokens, d)
    c_flat = charges.reshape(-1).astype(jnp.int32)

    dest, tile_expert, num_tiles = _routing_metadata(c_flat, n_tokens)
    padded_n = num_tiles * TILE

    NC, NS = _sc_workers()
    NW = NC * NS
    scat_idx = dest.reshape(NW, n_tokens // NW // 128, 128)
    x_sorted = _sc_scatter(x_flat, scat_idx, padded_n, n_tokens)

    energies = _expert_mlp(x_sorted, tile_expert, num_tiles,
                           W1, b1, W2, b2, W3, b3, W4, b4, W5, b5)

    gidx = dest.reshape(NW, batch // NW, n_atoms).transpose(0, 2, 1)
    return _sc_combine(energies, gidx, batch)

# --- scband reference (transcript-rebuilt; emitter-appended) ---
"""Pipeline reference for scband-element-specific-nn-274877907505 (READ-ONLY COPY).

The authoritative reference and input builder live on the scoring server;
editing this copy changes nothing except your own understanding.
"""

import jax, jax.numpy as jnp
import numpy as np

E = 8
IN_DIM = 128
HID = 256
OUT = 1
B = 512
N_ATOMS = 32


def _init_linear(key, e, fan_in, fan_out):
    k1, k2 = jax.random.split(key)
    bound = 1.0 / np.sqrt(fan_in)
    W = jax.random.uniform(k1, (e, fan_in, fan_out), jnp.float32, -bound, bound)
    b = jax.random.uniform(k2, (e, fan_out), jnp.float32, -bound, bound)
    return W, b


def setup_inputs(seed: int = 0) -> dict:
    key = jax.random.key(seed)
    kx, kc, k1, k2, k3, k4, k5 = jax.random.split(key, 7)
    x = jax.random.normal(kx, (B, N_ATOMS, IN_DIM), dtype=jnp.float32)
    charges = jax.random.randint(kc, (B, N_ATOMS), 0, E, dtype=jnp.int64)
    W1, b1 = _init_linear(k1, E, IN_DIM, HID)
    W2, b2 = _init_linear(k2, E, HID, HID)
    W3, b3 = _init_linear(k3, E, HID, HID)
    W4, b4 = _init_linear(k4, E, HID, HID)
    W5, b5 = _init_linear(k5, E, HID, OUT)
    return {"x": x, "charges": charges, "W1": W1, "b1": b1, "W2": W2, "b2": b2,
            "W3": W3, "b3": b3, "W4": W4, "b4": b4, "W5": W5, "b5": b5}


def _atomic_nn(xf, w1, c1, w2, c2, w3, c3, w4, c4, w5, c5):
    h = jax.nn.softplus(xf @ w1 + c1)
    h = jax.nn.softplus(h @ w2 + c2)
    h = jax.nn.softplus(h @ w3 + c3)
    h = jax.nn.softplus(h @ w4 + c4)
    return (h @ w5 + c5)[:, 0]


def reference(x, charges, W1, b1, W2, b2, W3, b3, W4, b4, W5, b5):
    batch, n_atoms, d = x.shape
    x_flat = x.reshape(-1, d)
    c_flat = charges.reshape(-1)
    energies = jnp.zeros((x_flat.shape[0],), dtype=x.dtype)
    for e in range(W1.shape[0]):
        y_e = _atomic_nn(x_flat, W1[e], b1[e], W2[e], b2[e], W3[e], b3[e], W4[e], b4[e], W5[e], b5[e])
        energies = jnp.where(c_flat == e, y_e, energies)
    atomic_energies = energies.reshape(batch, n_atoms)
    total_energy = atomic_energies.sum(axis=1)
    return total_energy

if __name__ == "__main__":
    import jax
    _d = setup_inputs()
    print(jax.jit(kernel)(*tuple(_d.values())))

</pallas_src>

<mosaic_0001>
#map = affine_map<(d0, d1) -> (0, 0)>
#map1 = affine_map<(d0, d1) -> (0, 0, 0)>
#map2 = affine_map<(d0, d1) -> (0)>
module attributes {stable_mosaic.version = 14 : i64} {
  func.func @k(%arg0: i32, %arg1: i32, %arg2: memref<160x128xf32, #tpu.memory_space<hbm>>, %arg3: memref<32x32x16xi32, #tpu.memory_space<hbm>>, %arg4: memref<512xf32, #tpu.memory_space<hbm>>, %arg5: memref<160x128xf32, #tpu.memory_space<vmem>>, %arg6: memref<32x16xi32, #tpu.memory_space<vmem>>, %arg7: memref<16xf32, #tpu.memory_space<vmem>>) attributes {dimension_semantics = [#tpu.dimension_semantics<core_parallel>, #tpu.dimension_semantics<subcore_parallel>], iteration_bounds = array<i64: 2, 16>, scalar_prefetch = 0 : i64, scratch_operands = 3 : i64, tpu.core_type = #tpu.core_type<sc_vector_subcore>, window_params = [{transform_indices = #map}, {transform_indices = #map1}, {transform_indices = #map2}]} {
    %mul3A = arith.constant 2 : i32
    %mul3A_0 = arith.muli %arg1, %mul3A : i32
    %add3A = arith.addi %mul3A_0, %arg0 : i32
    "tpu.region"() ({
      %run_scoped3A = tpu.sem_alloc : memref<!tpu.dma_semaphore, #tpu.memory_space<semaphore_mem>>
      tpu.enqueue_dma source(%arg2 : memref<160x128xf32, #tpu.memory_space<hbm>>) target(%arg5 : memref<160x128xf32, #tpu.memory_space<vmem>>) target_semaphore(%run_scoped3A : memref<!tpu.dma_semaphore, #tpu.memory_space<semaphore_mem>>)
      tpu.wait_dma2 semaphore(%run_scoped3A : memref<!tpu.dma_semaphore, #tpu.memory_space<semaphore_mem>>) src(%arg2 : memref<160x128xf32, #tpu.memory_space<hbm>>) dst(%arg5 : memref<160x128xf32, #tpu.memory_space<vmem>>)
      tpu.yield
    }) : () -> ()
    "tpu.region"() ({
      %run_scoped3A = tpu.sem_alloc : memref<!tpu.dma_semaphore, #tpu.memory_space<semaphore_mem>>
      %dma_start3A = arith.constant 0 : i32
      %dma_start3A_385 = arith.constant 0 : i32
      %dma_start3A_386 = tpu.memref_slice %arg3[%add3A, %dma_start3A, %dma_start3A_385] : memref<32x32x16xi32, #tpu.memory_space<hbm>> -> memref<1x32x16xi32, #tpu.memory_space<hbm>>
      %dma_start3A_387 = tpu.memref_squeeze %dma_start3A_386 : memref<1x32x16xi32, #tpu.memory_space<hbm>> -> memref<32x16xi32, #tpu.memory_space<hbm>>
      %dma_start3A_388 = arith.constant 0 : i32
      %dma_start3A_389 = arith.constant 0 : i32
      %dma_start3A_390 = tpu.memref_slice %arg3[%add3A, %dma_start3A_388, %dma_start3A_389] : memref<32x32x16xi32, #tpu.memory_space<hbm>> -> memref<1x32x16xi32, #tpu.memory_space<hbm>>
      %dma_start3A_391 = tpu.memref_squeeze %dma_start3A_390 : memref<1x32x16xi32, #tpu.memory_space<hbm>> -> memref<32x16xi32, #tpu.memory_space<hbm>>
      tpu.enqueue_dma source(%dma_start3A_391 : memref<32x16xi32, #tpu.memory_space<hbm>>) target(%arg6 : memref<32x16xi32, #tpu.memory_space<vmem>>) target_semaphore(%run_scoped3A : memref<!tpu.dma_semaphore, #tpu.memory_space<semaphore_mem>>)
      %dma_wait3A = arith.constant 0 : i32
      %dma_wait3A_392 = arith.constant 0 : i32
      %dma_wait3A_393 = tpu.memref_slice %arg3[%add3A, %dma_wait3A, %dma_wait3A_392] : memref<32x32x16xi32, #tpu.memory_space<hbm>> -> memref<1x32x16xi32, #tpu.memory_space<hbm>>
      %dma_wait3A_394 = tpu.memref_squeeze %dma_wait3A_393 : memref<1x32x16xi32, #tpu.memory_space<hbm>> -> memref<32x16xi32, #tpu.memory_space<hbm>>
      %dma_wait3A_395 = arith.constant 0 : i32
      %dma_wait3A_396 = arith.constant 0 : i32
      %dma_wait3A_397 = tpu.memref_slice %arg3[%add3A, %dma_wait3A_395, %dma_wait3A_396] : memref<32x32x16xi32, #tpu.memory_space<hbm>> -> memref<1x32x16xi32, #tpu.memory_space<hbm>>
      %dma_wait3A_398 = tpu.memref_squeeze %dma_wait3A_397 : memref<1x32x16xi32, #tpu.memory_space<hbm>> -> memref<32x16xi32, #tpu.memory_space<hbm>>
      tpu.wait_dma2 semaphore(%run_scoped3A : memref<!tpu.dma_semaphore, #tpu.memory_space<semaphore_mem>>) src(%dma_wait3A_398 : memref<32x16xi32, #tpu.memory_space<hbm>>) dst(%arg6 : memref<32x16xi32, #tpu.memory_space<vmem>>)
      tpu.yield
    }) : () -> ()
    %broadcast_in_dim3A = arith.constant 0.000000e+00 : f32
    %broadcast_in_dim3A_1 = vector.broadcast %broadcast_in_dim3A : f32 to vector<16xf32>
    %get3A = arith.constant 0 : i32
    %get3A_2 = arith.index_cast %get3A : i32 to index
    %get3A_3 = arith.constant 0 : index
    %get3A_4 = tpu.vector_load %arg6[%get3A_2, %get3A_3] {strides = array<i32>} : memref<32x16xi32, #tpu.memory_space<vmem>>, vector<16xi32>,
    %shift_right_arithmetic3A = arith.constant 7 : i32
    %shift_right_arithmetic3A_5 = vector.broadcast %shift_right_arithmetic3A : i32 to vector<16xi32>
    %shift_right_arithmetic3A_6 = arith.shrsi %get3A_4, %shift_right_arithmetic3A_5 : vector<16xi32>
    %and3A = arith.constant 127 : i32
    %and3A_7 = vector.broadcast %and3A : i32 to vector<16xi32>
    %and3A_8 = arith.andi %get3A_4, %and3A_7 : vector<16xi32>
    %gather3A = tpu.vector_load_idx %arg5[%shift_right_arithmetic3A_6, %and3A_8] : memref<160x128xf32, #tpu.memory_space<vmem>>[vector<16xi32>, vector<16xi32>], vector<16xf32>,
    %add3A_9 = arith.addf %broadcast_in_dim3A_1, %gather3A : vector<16xf32>
    %get3A_10 = arith.constant 1 : i32
    %get3A_11 = arith.index_cast %get3A_10 : i32 to index
    %get3A_12 = arith.constant 0 : index
    %get3A_13 = tpu.vector_load %arg6[%get3A_11, %get3A_12] {strides = array<i32>} : memref<32x16xi32, #tpu.memory_space<vmem>>, vector<16xi32>,
    %shift_right_arithmetic3A_14 = arith.constant 7 : i32
    %shift_right_arithmetic3A_15 = vector.broadcast %shift_right_arithmetic3A_14 : i32 to vector<16xi32>
    %shift_right_arithmetic3A_16 = arith.shrsi %get3A_13, %shift_right_arithmetic3A_15 : vector<16xi32>
    %and3A_17 = arith.constant 127 : i32
    %and3A_18 = vector.broadcast %and3A_17 : i32 to vector<16xi32>
    %and3A_19 = arith.andi %get3A_13, %and3A_18 : vector<16xi32>
    %gather3A_20 = tpu.vector_load_idx %arg5[%shift_right_arithmetic3A_16, %and3A_19] : memref<160x128xf32, #tpu.memory_space<vmem>>[vector<16xi32>, vector<16xi32>], vector<16xf32>,
    %add3A_21 = arith.addf %add3A_9, %gather3A_20 : vector<16xf32>
    %get3A_22 = arith.constant 2 : i32
    %get3A_23 = arith.index_cast %get3A_22 : i32 to index
    %get3A_24 = arith.constant 0 : index
    %get3A_25 = tpu.vector_load %arg6[%get3A_23, %get3A_24] {strides = array<i32>} : memref<32x16xi32, #tpu.memory_space<vmem>>, vector<16xi32>,
    %shift_right_arithmetic3A_26 = arith.constant 7 : i32
    %shift_right_arithmetic3A_27 = vector.broadcast %shift_right_arithmetic3A_26 : i32 to vector<16xi32>
    %shift_right_arithmetic3A_28 = arith.shrsi %get3A_25, %shift_right_arithmetic3A_27 : vector<16xi32>
    %and3A_29 = arith.constant 127 : i32
    %and3A_30 = vector.broadcast %and3A_29 : i32 to vector<16xi32>
    %and3A_31 = arith.andi %get3A_25, %and3A_30 : vector<16xi32>
    %gather3A_32 = tpu.vector_load_idx %arg5[%shift_right_arithmetic3A_28, %and3A_31] : memref<160x128xf32, #tpu.memory_space<vmem>>[vector<16xi32>, vector<16xi32>], vector<16xf32>,
    %add3A_33 = arith.addf %add3A_21, %gather3A_32 : vector<16xf32>
    %get3A_34 = arith.constant 3 : i32
    %get3A_35 = arith.index_cast %get3A_34 : i32 to index
    %get3A_36 = arith.constant 0 : index
    %get3A_37 = tpu.vector_load %arg6[%get3A_35, %get3A_36] {strides = array<i32>} : memref<32x16xi32, #tpu.memory_space<vmem>>, vector<16xi32>,
    %shift_right_arithmetic3A_38 = arith.constant 7 : i32
    %shift_right_arithmetic3A_39 = vector.broadcast %shift_right_arithmetic3A_38 : i32 to vector<16xi32>
    %shift_right_arithmetic3A_40 = arith.shrsi %get3A_37, %shift_right_arithmetic3A_39 : vector<16xi32>
    %and3A_41 = arith.constant 127 : i32
    %and3A_42 = vector.broadcast %and3A_41 : i32 to vector<16xi32>
    %and3A_43 = arith.andi %get3A_37, %and3A_42 : vector<16xi32>
    %gather3A_44 = tpu.vector_load_idx %arg5[%shift_right_arithmetic3A_40, %and3A_43] : memref<160x128xf32, #tpu.memory_space<vmem>>[vector<16xi32>, vector<16xi32>], vector<16xf32>,
    %add3A_45 = arith.addf %add3A_33, %gather3A_44 : vector<16xf32>
    %get3A_46 = arith.constant 4 : i32
    %get3A_47 = arith.index_cast %get3A_46 : i32 to index
    %get3A_48 = arith.constant 0 : index
    %get3A_49 = tpu.vector_load %arg6[%get3A_47, %get3A_48] {strides = array<i32>} : memref<32x16xi32, #tpu.memory_space<vmem>>, vector<16xi32>,
    %shift_right_arithmetic3A_50 = arith.constant 7 : i32
    %shift_right_arithmetic3A_51 = vector.broadcast %shift_right_arithmetic3A_50 : i32 to vector<16xi32>
    %shift_right_arithmetic3A_52 = arith.shrsi %get3A_49, %shift_right_arithmetic3A_51 : vector<16xi32>
    %and3A_53 = arith.constant 127 : i32
    %and3A_54 = vector.broadcast %and3A_53 : i32 to vector<16xi32>
    %and3A_55 = arith.andi %get3A_49, %and3A_54 : vector<16xi32>
    %gather3A_56 = tpu.vector_load_idx %arg5[%shift_right_arithmetic3A_52, %and3A_55] : memref<160x128xf32, #tpu.memory_space<vmem>>[vector<16xi32>, vector<16xi32>], vector<16xf32>,
    %add3A_57 = arith.addf %add3A_45, %gather3A_56 : vector<16xf32>
    %get3A_58 = arith.constant 5 : i32
    %get3A_59 = arith.index_cast %get3A_58 : i32 to index
    %get3A_60 = arith.constant 0 : index
    %get3A_61 = tpu.vector_load %arg6[%get3A_59, %get3A_60] {strides = array<i32>} : memref<32x16xi32, #tpu.memory_space<vmem>>, vector<16xi32>,
    %shift_right_arithmetic3A_62 = arith.constant 7 : i32
    %shift_right_arithmetic3A_63 = vector.broadcast %shift_right_arithmetic3A_62 : i32 to vector<16xi32>
    %shift_right_arithmetic3A_64 = arith.shrsi %get3A_61, %shift_right_arithmetic3A_63 : vector<16xi32>
    %and3A_65 = arith.constant 127 : i32
    %and3A_66 = vector.broadcast %and3A_65 : i32 to vector<16xi32>
    %and3A_67 = arith.andi %get3A_61, %and3A_66 : vector<16xi32>
    %gather3A_68 = tpu.vector_load_idx %arg5[%shift_right_arithmetic3A_64, %and3A_67] : memref<160x128xf32, #tpu.memory_space<vmem>>[vector<16xi32>, vector<16xi32>], vector<16xf32>,
    %add3A_69 = arith.addf %add3A_57, %gather3A_68 : vector<16xf32>
    %get3A_70 = arith.constant 6 : i32
    %get3A_71 = arith.index_cast %get3A_70 : i32 to index
    %get3A_72 = arith.constant 0 : index
    %get3A_73 = tpu.vector_load %arg6[%get3A_71, %get3A_72] {strides = array<i32>} : memref<32x16xi32, #tpu.memory_space<vmem>>, vector<16xi32>,
    %shift_right_arithmetic3A_74 = arith.constant 7 : i32
    %shift_right_arithmetic3A_75 = vector.broadcast %shift_right_arithmetic3A_74 : i32 to vector<16xi32>
    %shift_right_arithmetic3A_76 = arith.shrsi %get3A_73, %shift_right_arithmetic3A_75 : vector<16xi32>
    %and3A_77 = arith.constant 127 : i32
    %and3A_78 = vector.broadcast %and3A_77 : i32 to vector<16xi32>
    %and3A_79 = arith.andi %get3A_73, %and3A_78 : vector<16xi32>
    %gather3A_80 = tpu.vector_load_idx %arg5[%shift_right_arithmetic3A_76, %and3A_79] : memref<160x128xf32, #tpu.memory_space<vmem>>[vector<16xi32>, vector<16xi32>], vector<16xf32>,
    %add3A_81 = arith.addf %add3A_69, %gather3A_80 : vector<16xf32>
    %get3A_82 = arith.constant 7 : i32
    %get3A_83 = arith.index_cast %get3A_82 : i32 to index
    %get3A_84 = arith.constant 0 : index
    %get3A_85 = tpu.vector_load %arg6[%get3A_83, %get3A_84] {strides = array<i32>} : memref<32x16xi32, #tpu.memory_space<vmem>>, vector<16xi32>,
    %shift_right_arithmetic3A_86 = arith.constant 7 : i32
    %shift_right_arithmetic3A_87 = vector.broadcast %shift_right_arithmetic3A_86 : i32 to vector<16xi32>
    %shift_right_arithmetic3A_88 = arith.shrsi %get3A_85, %shift_right_arithmetic3A_87 : vector<16xi32>
    %and3A_89 = arith.constant 127 : i32
    %and3A_90 = vector.broadcast %and3A_89 : i32 to vector<16xi32>
    %and3A_91 = arith.andi %get3A_85, %and3A_90 : vector<16xi32>
    %gather3A_92 = tpu.vector_load_idx %arg5[%shift_right_arithmetic3A_88, %and3A_91] : memref<160x128xf32, #tpu.memory_space<vmem>>[vector<16xi32>, vector<16xi32>], vector<16xf32>,
    %add3A_93 = arith.addf %add3A_81, %gather3A_92 : vector<16xf32>
    %get3A_94 = arith.constant 8 : i32
    %get3A_95 = arith.index_cast %get3A_94 : i32 to index
    %get3A_96 = arith.constant 0 : index
    %get3A_97 = tpu.vector_load %arg6[%get3A_95, %get3A_96] {strides = array<i32>} : memref<32x16xi32, #tpu.memory_space<vmem>>, vector<16xi32>,
    %shift_right_arithmetic3A_98 = arith.constant 7 : i32
    %shift_right_arithmetic3A_99 = vector.broadcast %shift_right_arithmetic3A_98 : i32 to vector<16xi32>
    %shift_right_arithmetic3A_100 = arith.shrsi %get3A_97, %shift_right_arithmetic3A_99 : vector<16xi32>
    %and3A_101 = arith.constant 127 : i32
    %and3A_102 = vector.broadcast %and3A_101 : i32 to vector<16xi32>
    %and3A_103 = arith.andi %get3A_97, %and3A_102 : vector<16xi32>
    %gather3A_104 = tpu.vector_load_idx %arg5[%shift_right_arithmetic3A_100, %and3A_103] : memref<160x128xf32, #tpu.memory_space<vmem>>[vector<16xi32>, vector<16xi32>], vector<16xf32>,
    %add3A_105 = arith.addf %add3A_93, %gather3A_104 : vector<16xf32>
    %get3A_106 = arith.constant 9 : i32
    %get3A_107 = arith.index_cast %get3A_106 : i32 to index
    %get3A_108 = arith.constant 0 : index
    %get3A_109 = tpu.vector_load %arg6[%get3A_107, %get3A_108] {strides = array<i32>} : memref<32x16xi32, #tpu.memory_space<vmem>>, vector<16xi32>,
    %shift_right_arithmetic3A_110 = arith.constant 7 : i32
    %shift_right_arithmetic3A_111 = vector.broadcast %shift_right_arithmetic3A_110 : i32 to vector<16xi32>
    %shift_right_arithmetic3A_112 = arith.shrsi %get3A_109, %shift_right_arithmetic3A_111 : vector<16xi32>
    %and3A_113 = arith.constant 127 : i32
    %and3A_114 = vector.broadcast %and3A_113 : i32 to vector<16xi32>
    %and3A_115 = arith.andi %get3A_109, %and3A_114 : vector<16xi32>
    %gather3A_116 = tpu.vector_load_idx %arg5[%shift_right_arithmetic3A_112, %and3A_115] : memref<160x128xf32, #tpu.memory_space<vmem>>[vector<16xi32>, vector<16xi32>], vector<16xf32>,
    %add3A_117 = arith.addf %add3A_105, %gather3A_116 : vector<16xf32>
    %get3A_118 = arith.constant 10 : i32
    %get3A_119 = arith.index_cast %get3A_118 : i32 to index
    %get3A_120 = arith.constant 0 : index
    %get3A_121 = tpu.vector_load %arg6[%get3A_119, %get3A_120] {strides = array<i32>} : memref<32x16xi32, #tpu.memory_space<vmem>>, vector<16xi32>,
    %shift_right_arithmetic3A_122 = arith.constant 7 : i32
    %shift_right_arithmetic3A_123 = vector.broadcast %shift_right_arithmetic3A_122 : i32 to vector<16xi32>
    %shift_right_arithmetic3A_124 = arith.shrsi %get3A_121, %shift_right_arithmetic3A_123 : vector<16xi32>
    %and3A_125 = arith.constant 127 : i32
    %and3A_126 = vector.broadcast %and3A_125 : i32 to vector<16xi32>
    %and3A_127 = arith.andi %get3A_121, %and3A_126 : vector<16xi32>
    %gather3A_128 = tpu.vector_load_idx %arg5[%shift_right_arithmetic3A_124, %and3A_127] : memref<160x128xf32, #tpu.memory_space<vmem>>[vector<16xi32>, vector<16xi32>], vector<16xf32>,
    %add3A_129 = arith.addf %add3A_117, %gather3A_128 : vector<16xf32>
    %get3A_130 = arith.constant 11 : i32
    %get3A_131 = arith.index_cast %get3A_130 : i32 to index
    %get3A_132 = arith.constant 0 : index
    %get3A_133 = tpu.vector_load %arg6[%get3A_131, %get3A_132] {strides = array<i32>} : memref<32x16xi32, #tpu.memory_space<vmem>>, vector<16xi32>,
    %shift_right_arithmetic3A_134 = arith.constant 7 : i32
    %shift_right_arithmetic3A_135 = vector.broadcast %shift_right_arithmetic3A_134 : i32 to vector<16xi32>
    %shift_right_arithmetic3A_136 = arith.shrsi %get3A_133, %shift_right_arithmetic3A_135 : vector<16xi32>
    %and3A_137 = arith.constant 127 : i32
    %and3A_138 = vector.broadcast %and3A_137 : i32 to vector<16xi32>
    %and3A_139 = arith.andi %get3A_133, %and3A_138 : vector<16xi32>
    %gather3A_140 = tpu.vector_load_idx %arg5[%shift_right_arithmetic3A_136, %and3A_139] : memref<160x128xf32, #tpu.memory_space<vmem>>[vector<16xi32>, vector<16xi32>], vector<16xf32>,
    %add3A_141 = arith.addf %add3A_129, %gather3A_140 : vector<16xf32>
    %get3A_142 = arith.constant 12 : i32
    %get3A_143 = arith.index_cast %get3A_142 : i32 to index
    %get3A_144 = arith.constant 0 : index
    %get3A_145 = tpu.vector_load %arg6[%get3A_143, %get3A_144] {strides = array<i32>} : memref<32x16xi32, #tpu.memory_space<vmem>>, vector<16xi32>,
    %shift_right_arithmetic3A_146 = arith.constant 7 : i32
    %shift_right_arithmetic3A_147 = vector.broadcast %shift_right_arithmetic3A_146 : i32 to vector<16xi32>
    %shift_right_arithmetic3A_148 = arith.shrsi %get3A_145, %shift_right_arithmetic3A_147 : vector<16xi32>
    %and3A_149 = arith.constant 127 : i32
    %and3A_150 = vector.broadcast %and3A_149 : i32 to vector<16xi32>
    %and3A_151 = arith.andi %get3A_145, %and3A_150 : vector<16xi32>
    %gather3A_152 = tpu.vector_load_idx %arg5[%shift_right_arithmetic3A_148, %and3A_151] : memref<160x128xf32, #tpu.memory_space<vmem>>[vector<16xi32>, vector<16xi32>], vector<16xf32>,
    %add3A_153 = arith.addf %add3A_141, %gather3A_152 : vector<16xf32>
    %get3A_154 = arith.constant 13 : i32
    %get3A_155 = arith.index_cast %get3A_154 : i32 to index
    %get3A_156 = arith.constant 0 : index
    %get3A_157 = tpu.vector_load %arg6[%get3A_155, %get3A_156] {strides = array<i32>} : memref<32x16xi32, #tpu.memory_space<vmem>>, vector<16xi32>,
    %shift_right_arithmetic3A_158 = arith.constant 7 : i32
    %shift_right_arithmetic3A_159 = vector.broadcast %shift_right_arithmetic3A_158 : i32 to vector<16xi32>
    %shift_right_arithmetic3A_160 = arith.shrsi %get3A_157, %shift_right_arithmetic3A_159 : vector<16xi32>
    %and3A_161 = arith.constant 127 : i32
    %and3A_162 = vector.broadcast %and3A_161 : i32 to vector<16xi32>
    %and3A_163 = arith.andi %get3A_157, %and3A_162 : vector<16xi32>
    %gather3A_164 = tpu.vector_load_idx %arg5[%shift_right_arithmetic3A_160, %and3A_163] : memref<160x128xf32, #tpu.memory_space<vmem>>[vector<16xi32>, vector<16xi32>], vector<16xf32>,
    %add3A_165 = arith.addf %add3A_153, %gather3A_164 : vector<16xf32>
    %get3A_166 = arith.constant 14 : i32
    %get3A_167 = arith.index_cast %get3A_166 : i32 to index
    %get3A_168 = arith.constant 0 : index
    %get3A_169 = tpu.vector_load %arg6[%get3A_167, %get3A_168] {strides = array<i32>} : memref<32x16xi32, #tpu.memory_space<vmem>>, vector<16xi32>,
    %shift_right_arithmetic3A_170 = arith.constant 7 : i32
    %shift_right_arithmetic3A_171 = vector.broadcast %shift_right_arithmetic3A_170 : i32 to vector<16xi32>
    %shift_right_arithmetic3A_172 = arith.shrsi %get3A_169, %shift_right_arithmetic3A_171 : vector<16xi32>
    %and3A_173 = arith.constant 127 : i32
    %and3A_174 = vector.broadcast %and3A_173 : i32 to vector<16xi32>
    %and3A_175 = arith.andi %get3A_169, %and3A_174 : vector<16xi32>
    %gather3A_176 = tpu.vector_load_idx %arg5[%shift_right_arithmetic3A_172, %and3A_175] : memref<160x128xf32, #tpu.memory_space<vmem>>[vector<16xi32>, vector<16xi32>], vector<16xf32>,
    %add3A_177 = arith.addf %add3A_165, %gather3A_176 : vector<16xf32>
    %get3A_178 = arith.constant 15 : i32
    %get3A_179 = arith.index_cast %get3A_178 : i32 to index
    %get3A_180 = arith.constant 0 : index
    %get3A_181 = tpu.vector_load %arg6[%get3A_179, %get3A_180] {strides = array<i32>} : memref<32x16xi32, #tpu.memory_space<vmem>>, vector<16xi32>,
    %shift_right_arithmetic3A_182 = arith.constant 7 : i32
    %shift_right_arithmetic3A_183 = vector.broadcast %shift_right_arithmetic3A_182 : i32 to vector<16xi32>
    %shift_right_arithmetic3A_184 = arith.shrsi %get3A_181, %shift_right_arithmetic3A_183 : vector<16xi32>
    %and3A_185 = arith.constant 127 : i32
    %and3A_186 = vector.broadcast %and3A_185 : i32 to vector<16xi32>
    %and3A_187 = arith.andi %get3A_181, %and3A_186 : vector<16xi32>
    %gather3A_188 = tpu.vector_load_idx %arg5[%shift_right_arithmetic3A_184, %and3A_187] : memref<160x128xf32, #tpu.memory_space<vmem>>[vector<16xi32>, vector<16xi32>], vector<16xf32>,
    %add3A_189 = arith.addf %add3A_177, %gather3A_188 : vector<16xf32>
    %get3A_190 = arith.constant 16 : i32
    %get3A_191 = arith.index_cast %get3A_190 : i32 to index
    %get3A_192 = arith.constant 0 : index
    %get3A_193 = tpu.vector_load %arg6[%get3A_191, %get3A_192] {strides = array<i32>} : memref<32x16xi32, #tpu.memory_space<vmem>>, vector<16xi32>,
    %shift_right_arithmetic3A_194 = arith.constant 7 : i32
    %shift_right_arithmetic3A_195 = vector.broadcast %shift_right_arithmetic3A_194 : i32 to vector<16xi32>
    %shift_right_arithmetic3A_196 = arith.shrsi %get3A_193, %shift_right_arithmetic3A_195 : vector<16xi32>
    %and3A_197 = arith.constant 127 : i32
    %and3A_198 = vector.broadcast %and3A_197 : i32 to vector<16xi32>
    %and3A_199 = arith.andi %get3A_193, %and3A_198 : vector<16xi32>
    %gather3A_200 = tpu.vector_load_idx %arg5[%shift_right_arithmetic3A_196, %and3A_199] : memref<160x128xf32, #tpu.memory_space<vmem>>[vector<16xi32>, vector<16xi32>], vector<16xf32>,
    %add3A_201 = arith.addf %add3A_189, %gather3A_200 : vector<16xf32>
    %get3A_202 = arith.constant 17 : i32
    %get3A_203 = arith.index_cast %get3A_202 : i32 to index
    %get3A_204 = arith.constant 0 : index
    %get3A_205 = tpu.vector_load %arg6[%get3A_203, %get3A_204] {strides = array<i32>} : memref<32x16xi32, #tpu.memory_space<vmem>>, vector<16xi32>,
    %shift_right_arithmetic3A_206 = arith.constant 7 : i32
    %shift_right_arithmetic3A_207 = vector.broadcast %shift_right_arithmetic3A_206 : i32 to vector<16xi32>
    %shift_right_arithmetic3A_208 = arith.shrsi %get3A_205, %shift_right_arithmetic3A_207 : vector<16xi32>
    %and3A_209 = arith.constant 127 : i32
    %and3A_210 = vector.broadcast %and3A_209 : i32 to vector<16xi32>
    %and3A_211 = arith.andi %get3A_205, %and3A_210 : vector<16xi32>
    %gather3A_212 = tpu.vector_load_idx %arg5[%shift_right_arithmetic3A_208, %and3A_211] : memref<160x128xf32, #tpu.memory_space<vmem>>[vector<16xi32>, vector<16xi32>], vector<16xf32>,
    %add3A_213 = arith.addf %add3A_201, %gather3A_212 : vector<16xf32>
    %get3A_214 = arith.constant 18 : i32
    %get3A_215 = arith.index_cast %get3A_214 : i32 to index
    %get3A_216 = arith.constant 0 : index
    %get3A_217 = tpu.vector_load %arg6[%get3A_215, %get3A_216] {strides = array<i32>} : memref<32x16xi32, #tpu.memory_space<vmem>>, vector<16xi32>,
    %shift_right_arithmetic3A_218 = arith.constant 7 : i32
    %shift_right_arithmetic3A_219 = vector.broadcast %shift_right_arithmetic3A_218 : i32 to vector<16xi32>
    %shift_right_arithmetic3A_220 = arith.shrsi %get3A_217, %shift_right_arithmetic3A_219 : vector<16xi32>
    %and3A_221 = arith.constant 127 : i32
    %and3A_222 = vector.broadcast %and3A_221 : i32 to vector<16xi32>
    %and3A_223 = arith.andi %get3A_217, %and3A_222 : vector<16xi32>
    %gather3A_224 = tpu.vector_load_idx %arg5[%shift_right_arithmetic3A_220, %and3A_223] : memref<160x128xf32, #tpu.memory_space<vmem>>[vector<16xi32>, vector<16xi32>], vector<16xf32>,
    %add3A_225 = arith.addf %add3A_213, %gather3A_224 : vector<16xf32>
    %get3A_226 = arith.constant 19 : i32
    %get3A_227 = arith.index_cast %get3A_226 : i32 to index
    %get3A_228 = arith.constant 0 : index
    %get3A_229 = tpu.vector_load %arg6[%get3A_227, %get3A_228] {strides = array<i32>} : memref<32x16xi32, #tpu.memory_space<vmem>>, vector<16xi32>,
    %shift_right_arithmetic3A_230 = arith.constant 7 : i32
    %shift_right_arithmetic3A_231 = vector.broadcast %shift_right_arithmetic3A_230 : i32 to vector<16xi32>
    %shift_right_arithmetic3A_232 = arith.shrsi %get3A_229, %shift_right_arithmetic3A_231 : vector<16xi32>
    %and3A_233 = arith.constant 127 : i32
    %and3A_234 = vector.broadcast %and3A_233 : i32 to vector<16xi32>
    %and3A_235 = arith.andi %get3A_229, %and3A_234 : vector<16xi32>
    %gather3A_236 = tpu.vector_load_idx %arg5[%shift_right_arithmetic3A_232, %and3A_235] : memref<160x128xf32, #tpu.memory_space<vmem>>[vector<16xi32>, vector<16xi32>], vector<16xf32>,
    %add3A_237 = arith.addf %add3A_225, %gather3A_236 : vector<16xf32>
    %get3A_238 = arith.constant 20 : i32
    %get3A_239 = arith.index_cast %get3A_238 : i32 to index
    %get3A_240 = arith.constant 0 : index
    %get3A_241 = tpu.vector_load %arg6[%get3A_239, %get3A_240] {strides = array<i32>} : memref<32x16xi32, #tpu.memory_space<vmem>>, vector<16xi32>,
    %shift_right_arithmetic3A_242 = arith.constant 7 : i32
    %shift_right_arithmetic3A_243 = vector.broadcast %shift_right_arithmetic3A_242 : i32 to vector<16xi32>
    %shift_right_arithmetic3A_244 = arith.shrsi %get3A_241, %shift_right_arithmetic3A_243 : vector<16xi32>
    %and3A_245 = arith.constant 127 : i32
    %and3A_246 = vector.broadcast %and3A_245 : i32 to vector<16xi32>
    %and3A_247 = arith.andi %get3A_241, %and3A_246 : vector<16xi32>
    %gather3A_248 = tpu.vector_load_idx %arg5[%shift_right_arithmetic3A_244, %and3A_247] : memref<160x128xf32, #tpu.memory_space<vmem>>[vector<16xi32>, vector<16xi32>], vector<16xf32>,
    %add3A_249 = arith.addf %add3A_237, %gather3A_248 : vector<16xf32>
    %get3A_250 = arith.constant 21 : i32
    %get3A_251 = arith.index_cast %get3A_250 : i32 to index
    %get3A_252 = arith.constant 0 : index
    %get3A_253 = tpu.vector_load %arg6[%get3A_251, %get3A_252] {strides = array<i32>} : memref<32x16xi32, #tpu.memory_space<vmem>>, vector<16xi32>,
    %shift_right_arithmetic3A_254 = arith.constant 7 : i32
    %shift_right_arithmetic3A_255 = vector.broadcast %shift_right_arithmetic3A_254 : i32 to vector<16xi32>
    %shift_right_arithmetic3A_256 = arith.shrsi %get3A_253, %shift_right_arithmetic3A_255 : vector<16xi32>
    %and3A_257 = arith.constant 127 : i32
    %and3A_258 = vector.broadcast %and3A_257 : i32 to vector<16xi32>
    %and3A_259 = arith.andi %get3A_253, %and3A_258 : vector<16xi32>
    %gather3A_260 = tpu.vector_load_idx %arg5[%shift_right_arithmetic3A_256, %and3A_259] : memref<160x128xf32, #tpu.memory_space<vmem>>[vector<16xi32>, vector<16xi32>], vector<16xf32>,
    %add3A_261 = arith.addf %add3A_249, %gather3A_260 : vector<16xf32>
    %get3A_262 = arith.constant 22 : i32
    %get3A_263 = arith.index_cast %get3A_262 : i32 to index
    %get3A_264 = arith.constant 0 : index
    %get3A_265 = tpu.vector_load %arg6[%get3A_263, %get3A_264] {strides = array<i32>} : memref<32x16xi32, #tpu.memory_space<vmem>>, vector<16xi32>,
    %shift_right_arithmetic3A_266 = arith.constant 7 : i32
    %shift_right_arithmetic3A_267 = vector.broadcast %shift_right_arithmetic3A_266 : i32 to vector<16xi32>
    %shift_right_arithmetic3A_268 = arith.shrsi %get3A_265, %shift_right_arithmetic3A_267 : vector<16xi32>
    %and3A_269 = arith.constant 127 : i32
    %and3A_270 = vector.broadcast %and3A_269 : i32 to vector<16xi32>
    %and3A_271 = arith.andi %get3A_265, %and3A_270 : vector<16xi32>
    %gather3A_272 = tpu.vector_load_idx %arg5[%shift_right_arithmetic3A_268, %and3A_271] : memref<160x128xf32, #tpu.memory_space<vmem>>[vector<16xi32>, vector<16xi32>], vector<16xf32>,
    %add3A_273 = arith.addf %add3A_261, %gather3A_272 : vector<16xf32>
    %get3A_274 = arith.constant 23 : i32
    %get3A_275 = arith.index_cast %get3A_274 : i32 to index
    %get3A_276 = arith.constant 0 : index
    %get3A_277 = tpu.vector_load %arg6[%get3A_275, %get3A_276] {strides = array<i32>} : memref<32x16xi32, #tpu.memory_space<vmem>>, vector<16xi32>,
    %shift_right_arithmetic3A_278 = arith.constant 7 : i32
    %shift_right_arithmetic3A_279 = vector.broadcast %shift_right_arithmetic3A_278 : i32 to vector<16xi32>
    %shift_right_arithmetic3A_280 = arith.shrsi %get3A_277, %shift_right_arithmetic3A_279 : vector<16xi32>
    %and3A_281 = arith.constant 127 : i32
    %and3A_282 = vector.broadcast %and3A_281 : i32 to vector<16xi32>
    %and3A_283 = arith.andi %get3A_277, %and3A_282 : vector<16xi32>
    %gather3A_284 = tpu.vector_load_idx %arg5[%shift_right_arithmetic3A_280, %and3A_283] : memref<160x128xf32, #tpu.memory_space<vmem>>[vector<16xi32>, vector<16xi32>], vector<16xf32>,
    %add3A_285 = arith.addf %add3A_273, %gather3A_284 : vector<16xf32>
    %get3A_286 = arith.constant 24 : i32
    %get3A_287 = arith.index_cast %get3A_286 : i32 to index
    %get3A_288 = arith.constant 0 : index
    %get3A_289 = tpu.vector_load %arg6[%get3A_287, %get3A_288] {strides = array<i32>} : memref<32x16xi32, #tpu.memory_space<vmem>>, vector<16xi32>,
    %shift_right_arithmetic3A_290 = arith.constant 7 : i32
    %shift_right_arithmetic3A_291 = vector.broadcast %shift_right_arithmetic3A_290 : i32 to vector<16xi32>
    %shift_right_arithmetic3A_292 = arith.shrsi %get3A_289, %shift_right_arithmetic3A_291 : vector<16xi32>
    %and3A_293 = arith.constant 127 : i32
    %and3A_294 = vector.broadcast %and3A_293 : i32 to vector<16xi32>
    %and3A_295 = arith.andi %get3A_289, %and3A_294 : vector<16xi32>
    %gather3A_296 = tpu.vector_load_idx %arg5[%shift_right_arithmetic3A_292, %and3A_295] : memref<160x128xf32, #tpu.memory_space<vmem>>[vector<16xi32>, vector<16xi32>], vector<16xf32>,
    %add3A_297 = arith.addf %add3A_285, %gather3A_296 : vector<16xf32>
    %get3A_298 = arith.constant 25 : i32
    %get3A_299 = arith.index_cast %get3A_298 : i32 to index
    %get3A_300 = arith.constant 0 : index
    %get3A_301 = tpu.vector_load %arg6[%get3A_299, %get3A_300] {strides = array<i32>} : memref<32x16xi32, #tpu.memory_space<vmem>>, vector<16xi32>,
    %shift_right_arithmetic3A_302 = arith.constant 7 : i32
    %shift_right_arithmetic3A_303 = vector.broadcast %shift_right_arithmetic3A_302 : i32 to vector<16xi32>
    %shift_right_arithmetic3A_304 = arith.shrsi %get3A_301, %shift_right_arithmetic3A_303 : vector<16xi32>
    %and3A_305 = arith.constant 127 : i32
    %and3A_306 = vector.broadcast %and3A_305 : i32 to vector<16xi32>
    %and3A_307 = arith.andi %get3A_301, %and3A_306 : vector<16xi32>
    %gather3A_308 = tpu.vector_load_idx %arg5[%shift_right_arithmetic3A_304, %and3A_307] : memref<160x128xf32, #tpu.memory_space<vmem>>[vector<16xi32>, vector<16xi32>], vector<16xf32>,
    %add3A_309 = arith.addf %add3A_297, %gather3A_308 : vector<16xf32>
    %get3A_310 = arith.constant 26 : i32
    %get3A_311 = arith.index_cast %get3A_310 : i32 to index
    %get3A_312 = arith.constant 0 : index
    %get3A_313 = tpu.vector_load %arg6[%get3A_311, %get3A_312] {strides = array<i32>} : memref<32x16xi32, #tpu.memory_space<vmem>>, vector<16xi32>,
    %shift_right_arithmetic3A_314 = arith.constant 7 : i32
    %shift_right_arithmetic3A_315 = vector.broadcast %shift_right_arithmetic3A_314 : i32 to vector<16xi32>
    %shift_right_arithmetic3A_316 = arith.shrsi %get3A_313, %shift_right_arithmetic3A_315 : vector<16xi32>
    %and3A_317 = arith.constant 127 : i32
    %and3A_318 = vector.broadcast %and3A_317 : i32 to vector<16xi32>
    %and3A_319 = arith.andi %get3A_313, %and3A_318 : vector<16xi32>
    %gather3A_320 = tpu.vector_load_idx %arg5[%shift_right_arithmetic3A_316, %and3A_319] : memref<160x128xf32, #tpu.memory_space<vmem>>[vector<16xi32>, vector<16xi32>], vector<16xf32>,
    %add3A_321 = arith.addf %add3A_309, %gather3A_320 : vector<16xf32>
    %get3A_322 = arith.constant 27 : i32
    %get3A_323 = arith.index_cast %get3A_322 : i32 to index
    %get3A_324 = arith.constant 0 : index
    %get3A_325 = tpu.vector_load %arg6[%get3A_323, %get3A_324] {strides = array<i32>} : memref<32x16xi32, #tpu.memory_space<vmem>>, vector<16xi32>,
    %shift_right_arithmetic3A_326 = arith.constant 7 : i32
    %shift_right_arithmetic3A_327 = vector.broadcast %shift_right_arithmetic3A_326 : i32 to vector<16xi32>
    %shift_right_arithmetic3A_328 = arith.shrsi %get3A_325, %shift_right_arithmetic3A_327 : vector<16xi32>
    %and3A_329 = arith.constant 127 : i32
    %and3A_330 = vector.broadcast %and3A_329 : i32 to vector<16xi32>
    %and3A_331 = arith.andi %get3A_325, %and3A_330 : vector<16xi32>
    %gather3A_332 = tpu.vector_load_idx %arg5[%shift_right_arithmetic3A_328, %and3A_331] : memref<160x128xf32, #tpu.memory_space<vmem>>[vector<16xi32>, vector<16xi32>], vector<16xf32>,
    %add3A_333 = arith.addf %add3A_321, %gather3A_332 : vector<16xf32>
    %get3A_334 = arith.constant 28 : i32
    %get3A_335 = arith.index_cast %get3A_334 : i32 to index
    %get3A_336 = arith.constant 0 : index
    %get3A_337 = tpu.vector_load %arg6[%get3A_335, %get3A_336] {strides = array<i32>} : memref<32x16xi32, #tpu.memory_space<vmem>>, vector<16xi32>,
    %shift_right_arithmetic3A_338 = arith.constant 7 : i32
    %shift_right_arithmetic3A_339 = vector.broadcast %shift_right_arithmetic3A_338 : i32 to vector<16xi32>
    %shift_right_arithmetic3A_340 = arith.shrsi %get3A_337, %shift_right_arithmetic3A_339 : vector<16xi32>
    %and3A_341 = arith.constant 127 : i32
    %and3A_342 = vector.broadcast %and3A_341 : i32 to vector<16xi32>
    %and3A_343 = arith.andi %get3A_337, %and3A_342 : vector<16xi32>
    %gather3A_344 = tpu.vector_load_idx %arg5[%shift_right_arithmetic3A_340, %and3A_343] : memref<160x128xf32, #tpu.memory_space<vmem>>[vector<16xi32>, vector<16xi32>], vector<16xf32>,
    %add3A_345 = arith.addf %add3A_333, %gather3A_344 : vector<16xf32>
    %get3A_346 = arith.constant 29 : i32
    %get3A_347 = arith.index_cast %get3A_346 : i32 to index
    %get3A_348 = arith.constant 0 : index
    %get3A_349 = tpu.vector_load %arg6[%get3A_347, %get3A_348] {strides = array<i32>} : memref<32x16xi32, #tpu.memory_space<vmem>>, vector<16xi32>,
    %shift_right_arithmetic3A_350 = arith.constant 7 : i32
    %shift_right_arithmetic3A_351 = vector.broadcast %shift_right_arithmetic3A_350 : i32 to vector<16xi32>
    %shift_right_arithmetic3A_352 = arith.shrsi %get3A_349, %shift_right_arithmetic3A_351 : vector<16xi32>
    %and3A_353 = arith.constant 127 : i32
    %and3A_354 = vector.broadcast %and3A_353 : i32 to vector<16xi32>
    %and3A_355 = arith.andi %get3A_349, %and3A_354 : vector<16xi32>
    %gather3A_356 = tpu.vector_load_idx %arg5[%shift_right_arithmetic3A_352, %and3A_355] : memref<160x128xf32, #tpu.memory_space<vmem>>[vector<16xi32>, vector<16xi32>], vector<16xf32>,
    %add3A_357 = arith.addf %add3A_345, %gather3A_356 : vector<16xf32>
    %get3A_358 = arith.constant 30 : i32
    %get3A_359 = arith.index_cast %get3A_358 : i32 to index
    %get3A_360 = arith.constant 0 : index
    %get3A_361 = tpu.vector_load %arg6[%get3A_359, %get3A_360] {strides = array<i32>} : memref<32x16xi32, #tpu.memory_space<vmem>>, vector<16xi32>,
    %shift_right_arithmetic3A_362 = arith.constant 7 : i32
    %shift_right_arithmetic3A_363 = vector.broadcast %shift_right_arithmetic3A_362 : i32 to vector<16xi32>
    %shift_right_arithmetic3A_364 = arith.shrsi %get3A_361, %shift_right_arithmetic3A_363 : vector<16xi32>
    %and3A_365 = arith.constant 127 : i32
    %and3A_366 = vector.broadcast %and3A_365 : i32 to vector<16xi32>
    %and3A_367 = arith.andi %get3A_361, %and3A_366 : vector<16xi32>
    %gather3A_368 = tpu.vector_load_idx %arg5[%shift_right_arithmetic3A_364, %and3A_367] : memref<160x128xf32, #tpu.memory_space<vmem>>[vector<16xi32>, vector<16xi32>], vector<16xf32>,
    %add3A_369 = arith.addf %add3A_357, %gather3A_368 : vector<16xf32>
    %get3A_370 = arith.constant 31 : i32
    %get3A_371 = arith.index_cast %get3A_370 : i32 to index
    %get3A_372 = arith.constant 0 : index
    %get3A_373 = tpu.vector_load %arg6[%get3A_371, %get3A_372] {strides = array<i32>} : memref<32x16xi32, #tpu.memory_space<vmem>>, vector<16xi32>,
    %shift_right_arithmetic3A_374 = arith.constant 7 : i32
    %shift_right_arithmetic3A_375 = vector.broadcast %shift_right_arithmetic3A_374 : i32 to vector<16xi32>
    %shift_right_arithmetic3A_376 = arith.shrsi %get3A_373, %shift_right_arithmetic3A_375 : vector<16xi32>
    %and3A_377 = arith.constant 127 : i32
    %and3A_378 = vector.broadcast %and3A_377 : i32 to vector<16xi32>
    %and3A_379 = arith.andi %get3A_373, %and3A_378 : vector<16xi32>
    %gather3A_380 = tpu.vector_load_idx %arg5[%shift_right_arithmetic3A_376, %and3A_379] : memref<160x128xf32, #tpu.memory_space<vmem>>[vector<16xi32>, vector<16xi32>], vector<16xf32>,
    %add3A_381 = arith.addf %add3A_369, %gather3A_380 : vector<16xf32>
    %swap3A = arith.constant 0 : index
    %swap3A_382 = tpu.vector_load %arg7[%swap3A] {strides = array<i32>} : memref<16xf32, #tpu.memory_space<vmem>>, vector<16xf32>,
    tpu.vector_store %arg7[%swap3A], %add3A_381 {strides = array<i32>} : memref<16xf32, #tpu.memory_space<vmem>>, vector<16xf32>,
    %mul3A_383 = arith.constant 16 : i32
    %mul3A_384 = arith.muli %add3A, %mul3A_383 : i32
    "tpu.region"() ({
      %run_scoped3A = tpu.sem_alloc : memref<!tpu.dma_semaphore, #tpu.memory_space<semaphore_mem>>
      %dma_start3A = tpu.memref_slice %arg4[%mul3A_384] : memref<512xf32, #tpu.memory_space<hbm>> -> memref<16xf32, #tpu.memory_space<hbm>>
      %dma_start3A_385 = tpu.memref_slice %arg4[%mul3A_384] : memref<512xf32, #tpu.memory_space<hbm>> -> memref<16xf32, #tpu.memory_space<hbm>>
      tpu.enqueue_dma source(%arg7 : memref<16xf32, #tpu.memory_space<vmem>>) target(%dma_start3A_385 : memref<16xf32, #tpu.memory_space<hbm>>) target_semaphore(%run_scoped3A : memref<!tpu.dma_semaphore, #tpu.memory_space<semaphore_mem>>)
      %dma_wait3A = tpu.memref_slice %arg4[%mul3A_384] : memref<512xf32, #tpu.memory_space<hbm>> -> memref<16xf32, #tpu.memory_space<hbm>>
      %dma_wait3A_386 = tpu.memref_slice %arg4[%mul3A_384] : memref<512xf32, #tpu.memory_space<hbm>> -> memref<16xf32, #tpu.memory_space<hbm>>
      tpu.wait_dma2 semaphore(%run_scoped3A : memref<!tpu.dma_semaphore, #tpu.memory_space<semaphore_mem>>) src(%arg7 : memref<16xf32, #tpu.memory_space<vmem>>) dst(%dma_wait3A_386 : memref<16xf32, #tpu.memory_space<hbm>>)
      tpu.yield
    }) : () -> ()
    return
  }
}

#map = affine_map<(d0, d1) -> (0, 0)>
#map1 = affine_map<(d0, d1) -> (0, 0, 0)>
module attributes {stable_mosaic.version = 14 : i64} {
  func.func @k(%arg0: i32, %arg1: i32, %arg2: memref<16384x128xf32, #tpu.memory_space<hbm>>, %arg3: memref<32x4x128xi32, #tpu.memory_space<hbm>>, %arg4: memref<20480x128xf32, #tpu.memory_space<hbm>>, %arg5: memref<4x128xi32, #tpu.memory_space<vmem>>, %arg6: memref<512x128xf32, #tpu.memory_space<vmem>>, %arg7: memref<!tpu.dma_semaphore, #tpu.memory_space<semaphore_mem>>, %arg8: memref<!tpu.dma_semaphore, #tpu.memory_space<semaphore_mem>>, %arg9: memref<!tpu.dma_semaphore, #tpu.memory_space<semaphore_mem>>, %arg10: memref<!tpu.dma_semaphore, #tpu.memory_space<semaphore_mem>>, %arg11: memref<!tpu.dma_semaphore, #tpu.memory_space<semaphore_mem>>) attributes {dimension_semantics = [#tpu.dimension_semantics<core_parallel>, #tpu.dimension_semantics<subcore_parallel>], iteration_bounds = array<i64: 2, 16>, scalar_prefetch = 0 : i64, scratch_operands = 7 : i64, tpu.core_type = #tpu.core_type<sc_vector_subcore>, window_params = [{transform_indices = #map}, {transform_indices = #map1}, {transform_indices = #map}]} {
    %mul3A = arith.constant 2 : i32
    %mul3A_0 = arith.muli %arg1, %mul3A : i32
    %add3A = arith.addi %mul3A_0, %arg0 : i32
    %mul3A_1 = arith.constant 512 : i32
    %mul3A_2 = arith.muli %add3A, %mul3A_1 : i32
    "tpu.region"() ({
      %run_scoped3A = tpu.sem_alloc : memref<!tpu.dma_semaphore, #tpu.memory_space<semaphore_mem>>
      %dma_start3A_169 = arith.constant 0 : i32
      %dma_start3A_170 = arith.constant 0 : i32
      %dma_start3A_171 = tpu.memref_slice %arg3[%add3A, %dma_start3A_169, %dma_start3A_170] : memref<32x4x128xi32, #tpu.memory_space<hbm>> -> memref<1x4x128xi32, #tpu.memory_space<hbm>>
      %dma_start3A_172 = tpu.memref_squeeze %dma_start3A_171 : memref<1x4x128xi32, #tpu.memory_space<hbm>> -> memref<4x128xi32, #tpu.memory_space<hbm>>
      %dma_start3A_173 = arith.constant 0 : i32
      %dma_start3A_174 = arith.constant 0 : i32
      %dma_start3A_175 = tpu.memref_slice %arg3[%add3A, %dma_start3A_173, %dma_start3A_174] : memref<32x4x128xi32, #tpu.memory_space<hbm>> -> memref<1x4x128xi32, #tpu.memory_space<hbm>>
      %dma_start3A_176 = tpu.memref_squeeze %dma_start3A_175 : memref<1x4x128xi32, #tpu.memory_space<hbm>> -> memref<4x128xi32, #tpu.memory_space<hbm>>
      tpu.enqueue_dma source(%dma_start3A_176 : memref<4x128xi32, #tpu.memory_space<hbm>>) target(%arg5 : memref<4x128xi32, #tpu.memory_space<vmem>>) target_semaphore(%run_scoped3A : memref<!tpu.dma_semaphore, #tpu.memory_space<semaphore_mem>>)
      %dma_wait3A_177 = arith.constant 0 : i32
      %dma_wait3A_178 = arith.constant 0 : i32
      %dma_wait3A_179 = tpu.memref_slice %arg3[%add3A, %dma_wait3A_177, %dma_wait3A_178] : memref<32x4x128xi32, #tpu.memory_space<hbm>> -> memref<1x4x128xi32, #tpu.memory_space<hbm>>
      %dma_wait3A_180 = tpu.memref_squeeze %dma_wait3A_179 : memref<1x4x128xi32, #tpu.memory_space<hbm>> -> memref<4x128xi32, #tpu.memory_space<hbm>>
      %dma_wait3A_181 = arith.constant 0 : i32
      %dma_wait3A_182 = arith.constant 0 : i32
      %dma_wait3A_183 = tpu.memref_slice %arg3[%add3A, %dma_wait3A_181, %dma_wait3A_182] : memref<32x4x128xi32, #tpu.memory_space<hbm>> -> memref<1x4x128xi32, #tpu.memory_space<hbm>>
      %dma_wait3A_184 = tpu.memref_squeeze %dma_wait3A_183 : memref<1x4x128xi32, #tpu.memory_space<hbm>> -> memref<4x128xi32, #tpu.memory_space<hbm>>
      tpu.wait_dma2 semaphore(%run_scoped3A : memref<!tpu.dma_semaphore, #tpu.memory_space<semaphore_mem>>) src(%dma_wait3A_184 : memref<4x128xi32, #tpu.memory_space<hbm>>) dst(%arg5 : memref<4x128xi32, #tpu.memory_space<vmem>>)
      tpu.yield
    }) : () -> ()
    %add3A_3 = arith.constant 0 : i32
    %add3A_4 = arith.addi %mul3A_2, %add3A_3 : i32
    %dma_start3A = arith.constant 0 : i32
    %dma_start3A_5 = arith.constant 0 : i32
    %dma_start3A_6 = tpu.memref_slice %arg6[%dma_start3A, %dma_start3A_5] : memref<512x128xf32, #tpu.memory_space<vmem>> -> memref<128x128xf32, #tpu.memory_space<vmem>>
    %dma_start3A_7 = arith.constant 0 : i32
    %dma_start3A_8 = tpu.memref_slice %arg2[%add3A_4, %dma_start3A_7] : memref<16384x128xf32, #tpu.memory_space<hbm>> -> memref<128x128xf32, #tpu.memory_space<hbm>>
    %dma_start3A_9 = arith.constant 0 : i32
    %dma_start3A_10 = arith.constant 0 : i32
    %dma_start3A_11 = tpu.memref_slice %arg6[%dma_start3A_9, %dma_start3A_10] : memref<512x128xf32, #tpu.memory_space<vmem>> -> memref<128x128xf32, #tpu.memory_space<vmem>>
    %dma_start3A_12 = arith.constant 0 : i32
    %dma_start3A_13 = tpu.memref_slice %arg2[%add3A_4, %dma_start3A_12] : memref<16384x128xf32, #tpu.memory_space<hbm>> -> memref<128x128xf32, #tpu.memory_space<hbm>>
    tpu.enqueue_dma source(%dma_start3A_13 : memref<128x128xf32, #tpu.memory_space<hbm>>) target(%dma_start3A_11 : memref<128x128xf32, #tpu.memory_space<vmem>>) target_semaphore(%arg7 : memref<!tpu.dma_semaphore, #tpu.memory_space<semaphore_mem>>)
    %add3A_14 = arith.constant 128 : i32
    %add3A_15 = arith.addi %mul3A_2, %add3A_14 : i32
    %dma_start3A_16 = arith.constant 128 : i32
    %dma_start3A_17 = arith.constant 0 : i32
    %dma_start3A_18 = tpu.memref_slice %arg6[%dma_start3A_16, %dma_start3A_17] : memref<512x128xf32, #tpu.memory_space<vmem>> -> memref<128x128xf32, #tpu.memory_space<vmem>>
    %dma_start3A_19 = arith.constant 0 : i32
    %dma_start3A_20 = tpu.memref_slice %arg2[%add3A_15, %dma_start3A_19] : memref<16384x128xf32, #tpu.memory_space<hbm>> -> memref<128x128xf32, #tpu.memory_space<hbm>>
    %dma_start3A_21 = arith.constant 128 : i32
    %dma_start3A_22 = arith.constant 0 : i32
    %dma_start3A_23 = tpu.memref_slice %arg6[%dma_start3A_21, %dma_start3A_22] : memref<512x128xf32, #tpu.memory_space<vmem>> -> memref<128x128xf32, #tpu.memory_space<vmem>>
    %dma_start3A_24 = arith.constant 0 : i32
    %dma_start3A_25 = tpu.memref_slice %arg2[%add3A_15, %dma_start3A_24] : memref<16384x128xf32, #tpu.memory_space<hbm>> -> memref<128x128xf32, #tpu.memory_space<hbm>>
    tpu.enqueue_dma source(%dma_start3A_25 : memref<128x128xf32, #tpu.memory_space<hbm>>) target(%dma_start3A_23 : memref<128x128xf32, #tpu.memory_space<vmem>>) target_semaphore(%arg8 : memref<!tpu.dma_semaphore, #tpu.memory_space<semaphore_mem>>)
    %add3A_26 = arith.constant 256 : i32
    %add3A_27 = arith.addi %mul3A_2, %add3A_26 : i32
    %dma_start3A_28 = arith.constant 256 : i32
    %dma_start3A_29 = arith.constant 0 : i32
    %dma_start3A_30 = tpu.memref_slice %arg6[%dma_start3A_28, %dma_start3A_29] : memref<512x128xf32, #tpu.memory_space<vmem>> -> memref<128x128xf32, #tpu.memory_space<vmem>>
    %dma_start3A_31 = arith.constant 0 : i32
    %dma_start3A_32 = tpu.memref_slice %arg2[%add3A_27, %dma_start3A_31] : memref<16384x128xf32, #tpu.memory_space<hbm>> -> memref<128x128xf32, #tpu.memory_space<hbm>>
    %dma_start3A_33 = arith.constant 256 : i32
    %dma_start3A_34 = arith.constant 0 : i32
    %dma_start3A_35 = tpu.memref_slice %arg6[%dma_start3A_33, %dma_start3A_34] : memref<512x128xf32, #tpu.memory_space<vmem>> -> memref<128x128xf32, #tpu.memory_space<vmem>>
    %dma_start3A_36 = arith.constant 0 : i32
    %dma_start3A_37 = tpu.memref_slice %arg2[%add3A_27, %dma_start3A_36] : memref<16384x128xf32, #tpu.memory_space<hbm>> -> memref<128x128xf32, #tpu.memory_space<hbm>>
    tpu.enqueue_dma source(%dma_start3A_37 : memref<128x128xf32, #tpu.memory_space<hbm>>) target(%dma_start3A_35 : memref<128x128xf32, #tpu.memory_space<vmem>>) target_semaphore(%arg9 : memref<!tpu.dma_semaphore, #tpu.memory_space<semaphore_mem>>)
    %add3A_38 = arith.constant 384 : i32
    %add3A_39 = arith.addi %mul3A_2, %add3A_38 : i32
    %dma_start3A_40 = arith.constant 384 : i32
    %dma_start3A_41 = arith.constant 0 : i32
    %dma_start3A_42 = tpu.memref_slice %arg6[%dma_start3A_40, %dma_start3A_41] : memref<512x128xf32, #tpu.memory_space<vmem>> -> memref<128x128xf32, #tpu.memory_space<vmem>>
    %dma_start3A_43 = arith.constant 0 : i32
    %dma_start3A_44 = tpu.memref_slice %arg2[%add3A_39, %dma_start3A_43] : memref<16384x128xf32, #tpu.memory_space<hbm>> -> memref<128x128xf32, #tpu.memory_space<hbm>>
    %dma_start3A_45 = arith.constant 384 : i32
    %dma_start3A_46 = arith.constant 0 : i32
    %dma_start3A_47 = tpu.memref_slice %arg6[%dma_start3A_45, %dma_start3A_46] : memref<512x128xf32, #tpu.memory_space<vmem>> -> memref<128x128xf32, #tpu.memory_space<vmem>>
    %dma_start3A_48 = arith.constant 0 : i32
    %dma_start3A_49 = tpu.memref_slice %arg2[%add3A_39, %dma_start3A_48] : memref<16384x128xf32, #tpu.memory_space<hbm>> -> memref<128x128xf32, #tpu.memory_space<hbm>>
    tpu.enqueue_dma source(%dma_start3A_49 : memref<128x128xf32, #tpu.memory_space<hbm>>) target(%dma_start3A_47 : memref<128x128xf32, #tpu.memory_space<vmem>>) target_semaphore(%arg10 : memref<!tpu.dma_semaphore, #tpu.memory_space<semaphore_mem>>)
    %dma_wait3A = arith.constant 0 : i32
    %dma_wait3A_50 = arith.constant 0 : i32
    %dma_wait3A_51 = tpu.memref_slice %arg6[%dma_wait3A, %dma_wait3A_50] : memref<512x128xf32, #tpu.memory_space<vmem>> -> memref<128x128xf32, #tpu.memory_space<vmem>>
    %dma_wait3A_52 = arith.constant 0 : i32
    %dma_wait3A_53 = tpu.memref_slice %arg2[%add3A_4, %dma_wait3A_52] : memref<16384x128xf32, #tpu.memory_space<hbm>> -> memref<128x128xf32, #tpu.memory_space<hbm>>
    %dma_wait3A_54 = arith.constant 0 : i32
    %dma_wait3A_55 = arith.constant 0 : i32
    %dma_wait3A_56 = tpu.memref_slice %arg6[%dma_wait3A_54, %dma_wait3A_55] : memref<512x128xf32, #tpu.memory_space<vmem>> -> memref<128x128xf32, #tpu.memory_space<vmem>>
    %dma_wait3A_57 = arith.constant 0 : i32
    %dma_wait3A_58 = tpu.memref_slice %arg2[%add3A_4, %dma_wait3A_57] : memref<16384x128xf32, #tpu.memory_space<hbm>> -> memref<128x128xf32, #tpu.memory_space<hbm>>
    tpu.wait_dma2 semaphore(%arg7 : memref<!tpu.dma_semaphore, #tpu.memory_space<semaphore_mem>>) src(%dma_wait3A_58 : memref<128x128xf32, #tpu.memory_space<hbm>>) dst(%dma_wait3A_56 : memref<128x128xf32, #tpu.memory_space<vmem>>)
    %dma_start3A_59 = arith.constant 0 : i32
    %dma_start3A_60 = arith.constant 0 : i32
    %dma_start3A_61 = arith.constant 0 : i32
    %dma_start3A_62 = tpu.memref_slice %arg6[%dma_start3A_60, %dma_start3A_61] : memref<512x128xf32, #tpu.memory_space<vmem>> -> memref<128x128xf32, #tpu.memory_space<vmem>>
    %dma_start3A_63 = arith.constant 0 : i32
    %dma_start3A_64 = tpu.memref_slice %arg5[%dma_start3A_59, %dma_start3A_63] : memref<4x128xi32, #tpu.memory_space<vmem>> -> memref<1x128xi32, #tpu.memory_space<vmem>>
    %dma_start3A_65 = tpu.memref_squeeze %dma_start3A_64 : memref<1x128xi32, #tpu.memory_space<vmem>> -> memref<128xi32, #tpu.memory_space<vmem>>
    %dma_start3A_66 = arith.constant 0 : i32
    %dma_start3A_67 = arith.constant 0 : i32
    %dma_start3A_68 = tpu.memref_slice %arg4[%dma_start3A_66, %dma_start3A_67] : memref<20480x128xf32, #tpu.memory_space<hbm>> -> memref<20480x128xf32, #tpu.memory_space<hbm>>
    tpu.enqueue_indirect_dma source(%dma_start3A_62 : memref<128x128xf32, #tpu.memory_space<vmem>>) target(%dma_start3A_68 : memref<20480x128xf32, #tpu.memory_space<hbm>>) offsets(%dma_start3A_65 : memref<128xi32, #tpu.memory_space<vmem>>) semaphore(%arg11 : memref<!tpu.dma_semaphore, #tpu.memory_space<semaphore_mem>>)
    %dma_wait3A_69 = arith.constant 128 : i32
    %dma_wait3A_70 = arith.constant 0 : i32
    %dma_wait3A_71 = tpu.memref_slice %arg6[%dma_wait3A_69, %dma_wait3A_70] : memref<512x128xf32, #tpu.memory_space<vmem>> -> memref<128x128xf32, #tpu.memory_space<vmem>>
    %dma_wait3A_72 = arith.constant 0 : i32
    %dma_wait3A_73 = tpu.memref_slice %arg2[%add3A_15, %dma_wait3A_72] : memref<16384x128xf32, #tpu.memory_space<hbm>> -> memref<128x128xf32, #tpu.memory_space<hbm>>
    %dma_wait3A_74 = arith.constant 128 : i32
    %dma_wait3A_75 = arith.constant 0 : i32
    %dma_wait3A_76 = tpu.memref_slice %arg6[%dma_wait3A_74, %dma_wait3A_75] : memref<512x128xf32, #tpu.memory_space<vmem>> -> memref<128x128xf32, #tpu.memory_space<vmem>>
    %dma_wait3A_77 = arith.constant 0 : i32
    %dma_wait3A_78 = tpu.memref_slice %arg2[%add3A_15, %dma_wait3A_77] : memref<16384x128xf32, #tpu.memory_space<hbm>> -> memref<128x128xf32, #tpu.memory_space<hbm>>
    tpu.wait_dma2 semaphore(%arg8 : memref<!tpu.dma_semaphore, #tpu.memory_space<semaphore_mem>>) src(%dma_wait3A_78 : memref<128x128xf32, #tpu.memory_space<hbm>>) dst(%dma_wait3A_76 : memref<128x128xf32, #tpu.memory_space<vmem>>)
    %dma_start3A_79 = arith.constant 1 : i32
    %dma_start3A_80 = arith.constant 128 : i32
    %dma_start3A_81 = arith.constant 0 : i32
    %dma_start3A_82 = tpu.memref_slice %arg6[%dma_start3A_80, %dma_start3A_81] : memref<512x128xf32, #tpu.memory_space<vmem>> -> memref<128x128xf32, #tpu.memory_space<vmem>>
    %dma_start3A_83 = arith.constant 0 : i32
    %dma_start3A_84 = tpu.memref_slice %arg5[%dma_start3A_79, %dma_start3A_83] : memref<4x128xi32, #tpu.memory_space<vmem>> -> memref<1x128xi32, #tpu.memory_space<vmem>>
    %dma_start3A_85 = tpu.memref_squeeze %dma_start3A_84 : memref<1x128xi32, #tpu.memory_space<vmem>> -> memref<128xi32, #tpu.memory_space<vmem>>
    %dma_start3A_86 = arith.constant 0 : i32
    %dma_start3A_87 = arith.constant 0 : i32
    %dma_start3A_88 = tpu.memref_slice %arg4[%dma_start3A_86, %dma_start3A_87] : memref<20480x128xf32, #tpu.memory_space<hbm>> -> memref<20480x128xf32, #tpu.memory_space<hbm>>
    tpu.enqueue_indirect_dma source(%dma_start3A_82 : memref<128x128xf32, #tpu.memory_space<vmem>>) target(%dma_start3A_88 : memref<20480x128xf32, #tpu.memory_space<hbm>>) offsets(%dma_start3A_85 : memref<128xi32, #tpu.memory_space<vmem>>) semaphore(%arg11 : memref<!tpu.dma_semaphore, #tpu.memory_space<semaphore_mem>>)
    %dma_wait3A_89 = arith.constant 256 : i32
    %dma_wait3A_90 = arith.constant 0 : i32
    %dma_wait3A_91 = tpu.memref_slice %arg6[%dma_wait3A_89, %dma_wait3A_90] : memref<512x128xf32, #tpu.memory_space<vmem>> -> memref<128x128xf32, #tpu.memory_space<vmem>>
    %dma_wait3A_92 = arith.constant 0 : i32
    %dma_wait3A_93 = tpu.memref_slice %arg2[%add3A_27, %dma_wait3A_92] : memref<16384x128xf32, #tpu.memory_space<hbm>> -> memref<128x128xf32, #tpu.memory_space<hbm>>
    %dma_wait3A_94 = arith.constant 256 : i32
    %dma_wait3A_95 = arith.constant 0 : i32
    %dma_wait3A_96 = tpu.memref_slice %arg6[%dma_wait3A_94, %dma_wait3A_95] : memref<512x128xf32, #tpu.memory_space<vmem>> -> memref<128x128xf32, #tpu.memory_space<vmem>>
    %dma_wait3A_97 = arith.constant 0 : i32
    %dma_wait3A_98 = tpu.memref_slice %arg2[%add3A_27, %dma_wait3A_97] : memref<16384x128xf32, #tpu.memory_space<hbm>> -> memref<128x128xf32, #tpu.memory_space<hbm>>
    tpu.wait_dma2 semaphore(%arg9 : memref<!tpu.dma_semaphore, #tpu.memory_space<semaphore_mem>>) src(%dma_wait3A_98 : memref<128x128xf32, #tpu.memory_space<hbm>>) dst(%dma_wait3A_96 : memref<128x128xf32, #tpu.memory_space<vmem>>)
    %dma_start3A_99 = arith.constant 2 : i32
    %dma_start3A_100 = arith.constant 256 : i32
    %dma_start3A_101 = arith.constant 0 : i32
    %dma_start3A_102 = tpu.memref_slice %arg6[%dma_start3A_100, %dma_start3A_101] : memref<512x128xf32, #tpu.memory_space<vmem>> -> memref<128x128xf32, #tpu.memory_space<vmem>>
    %dma_start3A_103 = arith.constant 0 : i32
    %dma_start3A_104 = tpu.memref_slice %arg5[%dma_start3A_99, %dma_start3A_103] : memref<4x128xi32, #tpu.memory_space<vmem>> -> memref<1x128xi32, #tpu.memory_space<vmem>>
    %dma_start3A_105 = tpu.memref_squeeze %dma_start3A_104 : memref<1x128xi32, #tpu.memory_space<vmem>> -> memref<128xi32, #tpu.memory_space<vmem>>
    %dma_start3A_106 = arith.constant 0 : i32
    %dma_start3A_107 = arith.constant 0 : i32
    %dma_start3A_108 = tpu.memref_slice %arg4[%dma_start3A_106, %dma_start3A_107] : memref<20480x128xf32, #tpu.memory_space<hbm>> -> memref<20480x128xf32, #tpu.memory_space<hbm>>
    tpu.enqueue_indirect_dma source(%dma_start3A_102 : memref<128x128xf32, #tpu.memory_space<vmem>>) target(%dma_start3A_108 : memref<20480x128xf32, #tpu.memory_space<hbm>>) offsets(%dma_start3A_105 : memref<128xi32, #tpu.memory_space<vmem>>) semaphore(%arg11 : memref<!tpu.dma_semaphore, #tpu.memory_space<semaphore_mem>>)
    %dma_wait3A_109 = arith.constant 384 : i32
    %dma_wait3A_110 = arith.constant 0 : i32
    %dma_wait3A_111 = tpu.memref_slice %arg6[%dma_wait3A_109, %dma_wait3A_110] : memref<512x128xf32, #tpu.memory_space<vmem>> -> memref<128x128xf32, #tpu.memory_space<vmem>>
    %dma_wait3A_112 = arith.constant 0 : i32
    %dma_wait3A_113 = tpu.memref_slice %arg2[%add3A_39, %dma_wait3A_112] : memref<16384x128xf32, #tpu.memory_space<hbm>> -> memref<128x128xf32, #tpu.memory_space<hbm>>
    %dma_wait3A_114 = arith.constant 384 : i32
    %dma_wait3A_115 = arith.constant 0 : i32
    %dma_wait3A_116 = tpu.memref_slice %arg6[%dma_wait3A_114, %dma_wait3A_115] : memref<512x128xf32, #tpu.memory_space<vmem>> -> memref<128x128xf32, #tpu.memory_space<vmem>>
    %dma_wait3A_117 = arith.constant 0 : i32
    %dma_wait3A_118 = tpu.memref_slice %arg2[%add3A_39, %dma_wait3A_117] : memref<16384x128xf32, #tpu.memory_space<hbm>> -> memref<128x128xf32, #tpu.memory_space<hbm>>
    tpu.wait_dma2 semaphore(%arg10 : memref<!tpu.dma_semaphore, #tpu.memory_space<semaphore_mem>>) src(%dma_wait3A_118 : memref<128x128xf32, #tpu.memory_space<hbm>>) dst(%dma_wait3A_116 : memref<128x128xf32, #tpu.memory_space<vmem>>)
    %dma_start3A_119 = arith.constant 3 : i32
    %dma_start3A_120 = arith.constant 384 : i32
    %dma_start3A_121 = arith.constant 0 : i32
    %dma_start3A_122 = tpu.memref_slice %arg6[%dma_start3A_120, %dma_start3A_121] : memref<512x128xf32, #tpu.memory_space<vmem>> -> memref<128x128xf32, #tpu.memory_space<vmem>>
    %dma_start3A_123 = arith.constant 0 : i32
    %dma_start3A_124 = tpu.memref_slice %arg5[%dma_start3A_119, %dma_start3A_123] : memref<4x128xi32, #tpu.memory_space<vmem>> -> memref<1x128xi32, #tpu.memory_space<vmem>>
    %dma_start3A_125 = tpu.memref_squeeze %dma_start3A_124 : memref<1x128xi32, #tpu.memory_space<vmem>> -> memref<128xi32, #tpu.memory_space<vmem>>
    %dma_start3A_126 = arith.constant 0 : i32
    %dma_start3A_127 = arith.constant 0 : i32
    %dma_start3A_128 = tpu.memref_slice %arg4[%dma_start3A_126, %dma_start3A_127] : memref<20480x128xf32, #tpu.memory_space<hbm>> -> memref<20480x128xf32, #tpu.memory_space<hbm>>
    tpu.enqueue_indirect_dma source(%dma_start3A_122 : memref<128x128xf32, #tpu.memory_space<vmem>>) target(%dma_start3A_128 : memref<20480x128xf32, #tpu.memory_space<hbm>>) offsets(%dma_start3A_125 : memref<128xi32, #tpu.memory_space<vmem>>) semaphore(%arg11 : memref<!tpu.dma_semaphore, #tpu.memory_space<semaphore_mem>>)
    %dma_wait3A_129 = arith.constant 0 : i32
    %dma_wait3A_130 = arith.constant 0 : i32
    %dma_wait3A_131 = arith.constant 0 : i32
    %dma_wait3A_132 = tpu.memref_slice %arg6[%dma_wait3A_130, %dma_wait3A_131] : memref<512x128xf32, #tpu.memory_space<vmem>> -> memref<128x128xf32, #tpu.memory_space<vmem>>
    %dma_wait3A_133 = arith.constant 0 : i32
    %dma_wait3A_134 = tpu.memref_slice %arg5[%dma_wait3A_129, %dma_wait3A_133] : memref<4x128xi32, #tpu.memory_space<vmem>> -> memref<1x128xi32, #tpu.memory_space<vmem>>
    %dma_wait3A_135 = tpu.memref_squeeze %dma_wait3A_134 : memref<1x128xi32, #tpu.memory_space<vmem>> -> memref<128xi32, #tpu.memory_space<vmem>>
    %dma_wait3A_136 = arith.constant 0 : i32
    %dma_wait3A_137 = arith.constant 0 : i32
    %dma_wait3A_138 = tpu.memref_slice %arg4[%dma_wait3A_136, %dma_wait3A_137] : memref<20480x128xf32, #tpu.memory_space<hbm>> -> memref<20480x128xf32, #tpu.memory_space<hbm>>
    tpu.wait_indirect_dma semaphore(%arg11 : memref<!tpu.dma_semaphore, #tpu.memory_space<semaphore_mem>>) src(%dma_wait3A_132 : memref<128x128xf32, #tpu.memory_space<vmem>>) dst(%dma_wait3A_138 : memref<20480x128xf32, #tpu.memory_space<hbm>>)
    %dma_wait3A_139 = arith.constant 1 : i32
    %dma_wait3A_140 = arith.constant 128 : i32
    %dma_wait3A_141 = arith.constant 0 : i32
    %dma_wait3A_142 = tpu.memref_slice %arg6[%dma_wait3A_140, %dma_wait3A_141] : memref<512x128xf32, #tpu.memory_space<vmem>> -> memref<128x128xf32, #tpu.memory_space<vmem>>
    %dma_wait3A_143 = arith.constant 0 : i32
    %dma_wait3A_144 = tpu.memref_slice %arg5[%dma_wait3A_139, %dma_wait3A_143] : memref<4x128xi32, #tpu.memory_space<vmem>> -> memref<1x128xi32, #tpu.memory_space<vmem>>
    %dma_wait3A_145 = tpu.memref_squeeze %dma_wait3A_144 : memref<1x128xi32, #tpu.memory_space<vmem>> -> memref<128xi32, #tpu.memory_space<vmem>>
    %dma_wait3A_146 = arith.constant 0 : i32
    %dma_wait3A_147 = arith.constant 0 : i32
    %dma_wait3A_148 = tpu.memref_slice %arg4[%dma_wait3A_146, %dma_wait3A_147] : memref<20480x128xf32, #tpu.memory_space<hbm>> -> memref<20480x128xf32, #tpu.memory_space<hbm>>
    tpu.wait_indirect_dma semaphore(%arg11 : memref<!tpu.dma_semaphore, #tpu.memory_space<semaphore_mem>>) src(%dma_wait3A_142 : memref<128x128xf32, #tpu.memory_space<vmem>>) dst(%dma_wait3A_148 : memref<20480x128xf32, #tpu.memory_space<hbm>>)
    %dma_wait3A_149 = arith.constant 2 : i32
    %dma_wait3A_150 = arith.constant 256 : i32
    %dma_wait3A_151 = arith.constant 0 : i32
    %dma_wait3A_152 = tpu.memref_slice %arg6[%dma_wait3A_150, %dma_wait3A_151] : memref<512x128xf32, #tpu.memory_space<vmem>> -> memref<128x128xf32, #tpu.memory_space<vmem>>
    %dma_wait3A_153 = arith.constant 0 : i32
    %dma_wait3A_154 = tpu.memref_slice %arg5[%dma_wait3A_149, %dma_wait3A_153] : memref<4x128xi32, #tpu.memory_space<vmem>> -> memref<1x128xi32, #tpu.memory_space<vmem>>
    %dma_wait3A_155 = tpu.memref_squeeze %dma_wait3A_154 : memref<1x128xi32, #tpu.memory_space<vmem>> -> memref<128xi32, #tpu.memory_space<vmem>>
    %dma_wait3A_156 = arith.constant 0 : i32
    %dma_wait3A_157 = arith.constant 0 : i32
    %dma_wait3A_158 = tpu.memref_slice %arg4[%dma_wait3A_156, %dma_wait3A_157] : memref<20480x128xf32, #tpu.memory_space<hbm>> -> memref<20480x128xf32, #tpu.memory_space<hbm>>
    tpu.wait_indirect_dma semaphore(%arg11 : memref<!tpu.dma_semaphore, #tpu.memory_space<semaphore_mem>>) src(%dma_wait3A_152 : memref<128x128xf32, #tpu.memory_space<vmem>>) dst(%dma_wait3A_158 : memref<20480x128xf32, #tpu.memory_space<hbm>>)
    %dma_wait3A_159 = arith.constant 3 : i32
    %dma_wait3A_160 = arith.constant 384 : i32
    %dma_wait3A_161 = arith.constant 0 : i32
    %dma_wait3A_162 = tpu.memref_slice %arg6[%dma_wait3A_160, %dma_wait3A_161] : memref<512x128xf32, #tpu.memory_space<vmem>> -> memref<128x128xf32, #tpu.memory_space<vmem>>
    %dma_wait3A_163 = arith.constant 0 : i32
    %dma_wait3A_164 = tpu.memref_slice %arg5[%dma_wait3A_159, %dma_wait3A_163] : memref<4x128xi32, #tpu.memory_space<vmem>> -> memref<1x128xi32, #tpu.memory_space<vmem>>
    %dma_wait3A_165 = tpu.memref_squeeze %dma_wait3A_164 : memref<1x128xi32, #tpu.memory_space<vmem>> -> memref<128xi32, #tpu.memory_space<vmem>>
    %dma_wait3A_166 = arith.constant 0 : i32
    %dma_wait3A_167 = arith.constant 0 : i32
    %dma_wait3A_168 = tpu.memref_slice %arg4[%dma_wait3A_166, %dma_wait3A_167] : memref<20480x128xf32, #tpu.memory_space<hbm>> -> memref<20480x128xf32, #tpu.memory_space<hbm>>
    tpu.wait_indirect_dma semaphore(%arg11 : memref<!tpu.dma_semaphore, #tpu.memory_space<semaphore_mem>>) src(%dma_wait3A_162 : memref<128x128xf32, #tpu.memory_space<vmem>>) dst(%dma_wait3A_168 : memref<20480x128xf32, #tpu.memory_space<hbm>>)
    return
  }
}

module attributes {stable_mosaic.version = 14 : i64} {
  func.func @_mlp_body(%arg0: i32, %arg1: memref<40xi32, #tpu.memory_space<smem>>, %arg2: memref<512x128xf32, #tpu.memory_space<vmem>>, %arg3: memref<1x128x256xf32, #tpu.memory_space<vmem>>, %arg4: memref<1x3x256x256xf32, #tpu.memory_space<vmem>>, %arg5: memref<1x4x256xf32, #tpu.memory_space<vmem>>, %arg6: memref<1x8x256xf32, #tpu.memory_space<vmem>>, %arg7: memref<1x1x1xf32, #tpu.memory_space<smem>>, %arg8: memref<1x1x512xf32, #tpu.memory_space<vmem>>) attributes {dimension_semantics = [#tpu.dimension_semantics<arbitrary>], iteration_bounds = array<i64: 40>, scalar_prefetch = 1 : i64, scratch_operands = 0 : i64, tpu.core_type = #tpu.core_type<tc>, window_params = [{transform_indices = @transform_0, window_bounds = array<i64: 512, 128>}, {transform_indices = @transform_1, window_bounds = array<i64: 1, 128, 256>}, {transform_indices = @transform_2, window_bounds = array<i64: 1, 3, 256, 256>}, {transform_indices = @transform_3, window_bounds = array<i64: 1, 4, 256>}, {transform_indices = @transform_4, window_bounds = array<i64: 1, 8, 256>}, {transform_indices = @transform_5, window_bounds = array<i64: 1, 1, 1>}, {transform_indices = @transform_6, window_bounds = array<i64: 1, 1, 512>}]} {
    %get3A = arith.index_cast %arg0 : i32 to index
    %get3A_0 = memref.load %arg1[%get3A] : memref<40xi32, #tpu.memory_space<smem>>
    %lt3A = arith.constant 8 : i32
    %lt3A_1 = arith.cmpi slt, %get3A_0, %lt3A : i32
    %convert_element_type3A = arith.extui %lt3A_1 : i1 to i32
    %cond3A = arith.constant 0 : i32
    %cond3A_2 = arith.cmpi ne, %convert_element_type3A, %cond3A : i32
    scf.if %cond3A_2 {
      %get3A_3 = arith.constant 0 : index
      %get3A_4 = arith.constant 0 : index
      %get3A_5 = vector.load %arg2[%get3A_3, %get3A_4] : memref<512x128xf32, #tpu.memory_space<vmem>>, vector<512x128xf32>
      %get3A_6 = arith.constant 0 : index
      %get3A_7 = arith.constant 0 : index
      %get3A_8 = arith.constant 0 : index
      %get3A_9 = vector.load %arg3[%get3A_6, %get3A_7, %get3A_8] : memref<1x128x256xf32, #tpu.memory_space<vmem>>, vector<1x128x256xf32>
      %get3A_10 = vector.shape_cast %get3A_9 : vector<1x128x256xf32> to vector<128x256xf32>
      %dot_general3A = arith.constant dense<0.000000e+00> : vector<512x256xf32>
      %dot_general3A_11 = tpu.matmul %get3A_5, %get3A_10, %dot_general3A {dimension_numbers = #tpu.dot_dimension_numbers<[1], [0], [0], [1], [0, 0, 1, 1], [], []>, transpose_lhs_hint = false} : vector<512x128xf32>, vector<128x256xf32>, vector<512x256xf32> -> vector<512x256xf32>
      %get3A_12 = arith.constant 0 : index
      %get3A_13 = arith.constant 0 : index
      %get3A_14 = arith.constant 0 : index
      %get3A_15 = vector.load %arg5[%get3A_12, %get3A_13, %get3A_14] : memref<1x4x256xf32, #tpu.memory_space<vmem>>, vector<1x1x256xf32>
      %get3A_16 = vector.shape_cast %get3A_15 : vector<1x1x256xf32> to vector<256xf32>
      %broadcast_in_dim3A = vector.shape_cast %get3A_16 : vector<256xf32> to vector<1x256xf32>
      %add3A = vector.broadcast %broadcast_in_dim3A : vector<1x256xf32> to vector<512x256xf32>
      %add3A_17 = arith.addf %dot_general3A_11, %add3A : vector<512x256xf32>
      %abs3A = math.absf %add3A_17 : vector<512x256xf32>
      %neg3A = arith.constant 0.000000e+00 : f32
      %neg3A_18 = vector.broadcast %neg3A : f32 to vector<512x256xf32>
      %neg3A_19 = arith.subf %neg3A_18, %abs3A : vector<512x256xf32>
      %exp23A = math.exp2 %neg3A_19 : vector<512x256xf32>
      %max3A = arith.constant 0.000000e+00 : f32
      %max3A_20 = vector.broadcast %max3A : f32 to vector<512x256xf32>
      %max3A_21 = arith.maximumf %add3A_17, %max3A_20 : vector<512x256xf32>
      %add3A_22 = arith.constant 1.000000e+00 : f32
      %add3A_23 = vector.broadcast %add3A_22 : f32 to vector<512x256xf32>
      %add3A_24 = arith.addf %add3A_23, %exp23A : vector<512x256xf32>
      %log3A = math.log %add3A_24 : vector<512x256xf32>
      %log3A_25 = arith.constant 2.000000e+00 : f32
      %log3A_26 = math.log %log3A_25 : f32
      %div3A = vector.broadcast %log3A_26 : f32 to vector<512x256xf32>
      %div3A_27 = arith.divf %log3A, %div3A : vector<512x256xf32>
      %add3A_28 = arith.addf %max3A_21, %div3A_27 : vector<512x256xf32>
      %get3A_29 = arith.constant 0 : index
      %get3A_30 = arith.constant 0 : index
      %get3A_31 = arith.constant 0 : index
      %get3A_32 = arith.constant 0 : index
      %get3A_33 = vector.load %arg4[%get3A_29, %get3A_30, %get3A_31, %get3A_32] : memref<1x3x256x256xf32, #tpu.memory_space<vmem>>, vector<1x1x256x256xf32>
      %get3A_34 = vector.shape_cast %get3A_33 : vector<1x1x256x256xf32> to vector<256x256xf32>
      %dot_general3A_35 = arith.constant dense<0.000000e+00> : vector<512x256xf32>
      %dot_general3A_36 = tpu.matmul %add3A_28, %get3A_34, %dot_general3A_35 {dimension_numbers = #tpu.dot_dimension_numbers<[1], [0], [0], [1], [0, 0, 1, 1], [], []>, transpose_lhs_hint = false} : vector<512x256xf32>, vector<256x256xf32>, vector<512x256xf32> -> vector<512x256xf32>
      %get3A_37 = arith.constant 0 : index
      %get3A_38 = arith.constant 1 : index
      %get3A_39 = arith.constant 0 : index
      %get3A_40 = vector.load %arg5[%get3A_37, %get3A_38, %get3A_39] : memref<1x4x256xf32, #tpu.memory_space<vmem>>, vector<1x1x256xf32>
      %get3A_41 = vector.shape_cast %get3A_40 : vector<1x1x256xf32> to vector<256xf32>
      %broadcast_in_dim3A_42 = vector.shape_cast %get3A_41 : vector<256xf32> to vector<1x256xf32>
      %add3A_43 = vector.broadcast %broadcast_in_dim3A_42 : vector<1x256xf32> to vector<512x256xf32>
      %add3A_44 = arith.addf %dot_general3A_36, %add3A_43 : vector<512x256xf32>
      %abs3A_45 = math.absf %add3A_44 : vector<512x256xf32>
      %neg3A_46 = arith.constant 0.000000e+00 : f32
      %neg3A_47 = vector.broadcast %neg3A_46 : f32 to vector<512x256xf32>
      %neg3A_48 = arith.subf %neg3A_47, %abs3A_45 : vector<512x256xf32>
      %exp23A_49 = math.exp2 %neg3A_48 : vector<512x256xf32>
      %max3A_50 = arith.constant 0.000000e+00 : f32
      %max3A_51 = vector.broadcast %max3A_50 : f32 to vector<512x256xf32>
      %max3A_52 = arith.maximumf %add3A_44, %max3A_51 : vector<512x256xf32>
      %add3A_53 = arith.constant 1.000000e+00 : f32
      %add3A_54 = vector.broadcast %add3A_53 : f32 to vector<512x256xf32>
      %add3A_55 = arith.addf %add3A_54, %exp23A_49 : vector<512x256xf32>
      %log3A_56 = math.log %add3A_55 : vector<512x256xf32>
      %log3A_57 = arith.constant 2.000000e+00 : f32
      %log3A_58 = math.log %log3A_57 : f32
      %div3A_59 = vector.broadcast %log3A_58 : f32 to vector<512x256xf32>
      %div3A_60 = arith.divf %log3A_56, %div3A_59 : vector<512x256xf32>
      %add3A_61 = arith.addf %max3A_52, %div3A_60 : vector<512x256xf32>
      %get3A_62 = arith.constant 0 : index
      %get3A_63 = arith.constant 1 : index
      %get3A_64 = arith.constant 0 : index
      %get3A_65 = arith.constant 0 : index
      %get3A_66 = vector.load %arg4[%get3A_62, %get3A_63, %get3A_64, %get3A_65] : memref<1x3x256x256xf32, #tpu.memory_space<vmem>>, vector<1x1x256x256xf32>
      %get3A_67 = vector.shape_cast %get3A_66 : vector<1x1x256x256xf32> to vector<256x256xf32>
      %dot_general3A_68 = arith.constant dense<0.000000e+00> : vector<512x256xf32>
      %dot_general3A_69 = tpu.matmul %add3A_61, %get3A_67, %dot_general3A_68 {dimension_numbers = #tpu.dot_dimension_numbers<[1], [0], [0], [1], [0, 0, 1, 1], [], []>, transpose_lhs_hint = false} : vector<512x256xf32>, vector<256x256xf32>, vector<512x256xf32> -> vector<512x256xf32>
      %get3A_70 = arith.constant 0 : index
      %get3A_71 = arith.constant 2 : index
      %get3A_72 = arith.constant 0 : index
      %get3A_73 = vector.load %arg5[%get3A_70, %get3A_71, %get3A_72] : memref<1x4x256xf32, #tpu.memory_space<vmem>>, vector<1x1x256xf32>
      %get3A_74 = vector.shape_cast %get3A_73 : vector<1x1x256xf32> to vector<256xf32>
      %broadcast_in_dim3A_75 = vector.shape_cast %get3A_74 : vector<256xf32> to vector<1x256xf32>
      %add3A_76 = vector.broadcast %broadcast_in_dim3A_75 : vector<1x256xf32> to vector<512x256xf32>
      %add3A_77 = arith.addf %dot_general3A_69, %add3A_76 : vector<512x256xf32>
      %abs3A_78 = math.absf %add3A_77 : vector<512x256xf32>
      %neg3A_79 = arith.constant 0.000000e+00 : f32
      %neg3A_80 = vector.broadcast %neg3A_79 : f32 to vector<512x256xf32>
      %neg3A_81 = arith.subf %neg3A_80, %abs3A_78 : vector<512x256xf32>
      %exp23A_82 = math.exp2 %neg3A_81 : vector<512x256xf32>
      %max3A_83 = arith.constant 0.000000e+00 : f32
      %max3A_84 = vector.broadcast %max3A_83 : f32 to vector<512x256xf32>
      %max3A_85 = arith.maximumf %add3A_77, %max3A_84 : vector<512x256xf32>
      %add3A_86 = arith.constant 1.000000e+00 : f32
      %add3A_87 = vector.broadcast %add3A_86 : f32 to vector<512x256xf32>
      %add3A_88 = arith.addf %add3A_87, %exp23A_82 : vector<512x256xf32>
      %log3A_89 = math.log %add3A_88 : vector<512x256xf32>
      %log3A_90 = arith.constant 2.000000e+00 : f32
      %log3A_91 = math.log %log3A_90 : f32
      %div3A_92 = vector.broadcast %log3A_91 : f32 to vector<512x256xf32>
      %div3A_93 = arith.divf %log3A_89, %div3A_92 : vector<512x256xf32>
      %add3A_94 = arith.addf %max3A_85, %div3A_93 : vector<512x256xf32>
      %get3A_95 = arith.constant 0 : index
      %get3A_96 = arith.constant 2 : index
      %get3A_97 = arith.constant 0 : index
      %get3A_98 = arith.constant 0 : index
      %get3A_99 = vector.load %arg4[%get3A_95, %get3A_96, %get3A_97, %get3A_98] : memref<1x3x256x256xf32, #tpu.memory_space<vmem>>, vector<1x1x256x256xf32>
      %get3A_100 = vector.shape_cast %get3A_99 : vector<1x1x256x256xf32> to vector<256x256xf32>
      %dot_general3A_101 = arith.constant dense<0.000000e+00> : vector<512x256xf32>
      %dot_general3A_102 = tpu.matmul %add3A_94, %get3A_100, %dot_general3A_101 {dimension_numbers = #tpu.dot_dimension_numbers<[1], [0], [0], [1], [0, 0, 1, 1], [], []>, transpose_lhs_hint = false} : vector<512x256xf32>, vector<256x256xf32>, vector<512x256xf32> -> vector<512x256xf32>
      %get3A_103 = arith.constant 0 : index
      %get3A_104 = arith.constant 3 : index
      %get3A_105 = arith.constant 0 : index
      %get3A_106 = vector.load %arg5[%get3A_103, %get3A_104, %get3A_105] : memref<1x4x256xf32, #tpu.memory_space<vmem>>, vector<1x1x256xf32>
      %get3A_107 = vector.shape_cast %get3A_106 : vector<1x1x256xf32> to vector<256xf32>
      %broadcast_in_dim3A_108 = vector.shape_cast %get3A_107 : vector<256xf32> to vector<1x256xf32>
      %add3A_109 = vector.broadcast %broadcast_in_dim3A_108 : vector<1x256xf32> to vector<512x256xf32>
      %add3A_110 = arith.addf %dot_general3A_102, %add3A_109 : vector<512x256xf32>
      %abs3A_111 = math.absf %add3A_110 : vector<512x256xf32>
      %neg3A_112 = arith.constant 0.000000e+00 : f32
      %neg3A_113 = vector.broadcast %neg3A_112 : f32 to vector<512x256xf32>
      %neg3A_114 = arith.subf %neg3A_113, %abs3A_111 : vector<512x256xf32>
      %exp23A_115 = math.exp2 %neg3A_114 : vector<512x256xf32>
      %max3A_116 = arith.constant 0.000000e+00 : f32
      %max3A_117 = vector.broadcast %max3A_116 : f32 to vector<512x256xf32>
      %max3A_118 = arith.maximumf %add3A_110, %max3A_117 : vector<512x256xf32>
      %add3A_119 = arith.constant 1.000000e+00 : f32
      %add3A_120 = vector.broadcast %add3A_119 : f32 to vector<512x256xf32>
      %add3A_121 = arith.addf %add3A_120, %exp23A_115 : vector<512x256xf32>
      %log3A_122 = math.log %add3A_121 : vector<512x256xf32>
      %log3A_123 = arith.constant 2.000000e+00 : f32
      %log3A_124 = math.log %log3A_123 : f32
      %div3A_125 = vector.broadcast %log3A_124 : f32 to vector<512x256xf32>
      %div3A_126 = arith.divf %log3A_122, %div3A_125 : vector<512x256xf32>
      %add3A_127 = arith.addf %max3A_118, %div3A_126 : vector<512x256xf32>
      %get3A_128 = arith.constant 0 : index
      %get3A_129 = arith.constant 0 : index
      %get3A_130 = arith.constant 0 : index
      %get3A_131 = vector.load %arg6[%get3A_128, %get3A_129, %get3A_130] : memref<1x8x256xf32, #tpu.memory_space<vmem>>, vector<1x8x256xf32>
      %get3A_132 = vector.shape_cast %get3A_131 : vector<1x8x256xf32> to vector<8x256xf32>
      %dot_general3A_133 = arith.constant dense<0.000000e+00> : vector<8x512xf32>
      %dot_general3A_134 = tpu.matmul %get3A_132, %add3A_127, %dot_general3A_133 {dimension_numbers = #tpu.dot_dimension_numbers<[1], [1], [0], [0], [0, 0, 1, 0], [], []>, transpose_lhs_hint = false} : vector<8x256xf32>, vector<512x256xf32>, vector<8x512xf32> -> vector<8x512xf32>
      %slice3A = vector.extract_strided_slice %dot_general3A_134 {offsets = [0, 0], sizes = [1, 512], strides = [1, 1]} : vector<8x512xf32> to vector<1x512xf32>
      %get3A_135 = arith.constant 0 : index
      %get3A_136 = arith.constant 0 : index
      %get3A_137 = arith.constant 0 : index
      %get3A_138 = memref.load %arg7[%get3A_135, %get3A_136, %get3A_137] : memref<1x1x1xf32, #tpu.memory_space<smem>>
      %add3A_139 = vector.broadcast %get3A_138 : f32 to vector<1x512xf32>
      %add3A_140 = arith.addf %slice3A, %add3A_139 : vector<1x512xf32>
      %swap3A = arith.constant 0 : index
      %swap3A_141 = arith.constant 0 : index
      %swap3A_142 = arith.constant 0 : index
      %swap3A_143 = vector.load %arg8[%swap3A, %swap3A_141, %swap3A_142] : memref<1x1x512xf32, #tpu.memory_space<vmem>>, vector<1x1x512xf32>
      %swap3A_144 = vector.shape_cast %swap3A_143 : vector<1x1x512xf32> to vector<1x512xf32>
      %swap3A_145 = vector.shape_cast %add3A_140 : vector<1x512xf32> to vector<1x1x512xf32>
      tpu.vector_store %arg8[%swap3A, %swap3A_141, %swap3A_142], %swap3A_145 {strides = array<i32>} : memref<1x1x512xf32, #tpu.memory_space<vmem>>, vector<1x1x512xf32>,
    } else {
    }
    return
  }
  func.func @transform_0(%arg0: i32, %arg1: memref<40xi32, #tpu.memory_space<smem>>) -> (i32, i32) {
    %get3A = arith.index_cast %arg0 : i32 to index
    %get3A_0 = memref.load %arg1[%get3A] : memref<40xi32, #tpu.memory_space<smem>>
    %lt3A = arith.constant 8 : i32
    %lt3A_1 = arith.cmpi slt, %get3A_0, %lt3A : i32
    %jit3A = arith.constant 0 : i32
    %select_n3A = arith.select %lt3A_1, %arg0, %jit3A : i32
    %c0_i32 = arith.constant 0 : i32
    %c0_i32_2 = arith.constant 0 : i32
    return %select_n3A, %c0_i32 : i32, i32
  }
  func.func @transform_1(%arg0: i32, %arg1: memref<40xi32, #tpu.memory_space<smem>>) -> (i32, i32, i32) {
    %get3A = arith.index_cast %arg0 : i32 to index
    %get3A_0 = memref.load %arg1[%get3A] : memref<40xi32, #tpu.memory_space<smem>>
    %min3A = arith.constant 7 : i32
    %min3A_1 = arith.minsi %get3A_0, %min3A : i32
    %c0_i32 = arith.constant 0 : i32
    %c0_i32_2 = arith.constant 0 : i32
    %c0_i32_3 = arith.constant 0 : i32
    return %min3A_1, %c0_i32, %c0_i32_2 : i32, i32, i32
  }
  func.func @transform_2(%arg0: i32, %arg1: memref<40xi32, #tpu.memory_space<smem>>) -> (i32, i32, i32, i32) {
    %get3A = arith.index_cast %arg0 : i32 to index
    %get3A_0 = memref.load %arg1[%get3A] : memref<40xi32, #tpu.memory_space<smem>>
    %min3A = arith.constant 7 : i32
    %min3A_1 = arith.minsi %get3A_0, %min3A : i32
    %c0_i32 = arith.constant 0 : i32
    %c0_i32_2 = arith.constant 0 : i32
    %c0_i32_3 = arith.constant 0 : i32
    %c0_i32_4 = arith.constant 0 : i32
    return %min3A_1, %c0_i32, %c0_i32_2, %c0_i32_3 : i32, i32, i32, i32
  }
  func.func @transform_3(%arg0: i32, %arg1: memref<40xi32, #tpu.memory_space<smem>>) -> (i32, i32, i32) {
    %get3A = arith.index_cast %arg0 : i32 to index
    %get3A_0 = memref.load %arg1[%get3A] : memref<40xi32, #tpu.memory_space<smem>>
    %min3A = arith.constant 7 : i32
    %min3A_1 = arith.minsi %get3A_0, %min3A : i32
    %c0_i32 = arith.constant 0 : i32
    %c0_i32_2 = arith.constant 0 : i32
    %c0_i32_3 = arith.constant 0 : i32
    return %min3A_1, %c0_i32, %c0_i32_2 : i32, i32, i32
  }
  func.func @transform_4(%arg0: i32, %arg1: memref<40xi32, #tpu.memory_space<smem>>) -> (i32, i32, i32) {
    %get3A = arith.index_cast %arg0 : i32 to index
    %get3A_0 = memref.load %arg1[%get3A] : memref<40xi32, #tpu.memory_space<smem>>
    %min3A = arith.constant 7 : i32
    %min3A_1 = arith.minsi %get3A_0, %min3A : i32
    %c0_i32 = arith.constant 0 : i32
    %c0_i32_2 = arith.constant 0 : i32
    %c0_i32_3 = arith.constant 0 : i32
    return %min3A_1, %c0_i32, %c0_i32_2 : i32, i32, i32
  }
  func.func @transform_5(%arg0: i32, %arg1: memref<40xi32, #tpu.memory_space<smem>>) -> (i32, i32, i32) {
    %get3A = arith.index_cast %arg0 : i32 to index
    %get3A_0 = memref.load %arg1[%get3A] : memref<40xi32, #tpu.memory_space<smem>>
    %min3A = arith.constant 7 : i32
    %min3A_1 = arith.minsi %get3A_0, %min3A : i32
    %c0_i32 = arith.constant 0 : i32
    %c0_i32_2 = arith.constant 0 : i32
    %c0_i32_3 = arith.constant 0 : i32
    return %min3A_1, %c0_i32, %c0_i32_2 : i32, i32, i32
  }
  func.func @transform_6(%arg0: i32, %arg1: memref<40xi32, #tpu.memory_space<smem>>) -> (i32, i32, i32) {
    %c0_i32 = arith.constant 0 : i32
    %c0_i32_0 = arith.constant 0 : i32
    %c0_i32_1 = arith.constant 0 : i32
    return %arg0, %c0_i32, %c0_i32_0 : i32, i32, i32
  }
}

</mosaic_0001>

<sc_bundles>
// kernel: kernel.5.cloned.1.call-start
scs
__scs_entry_jumppad:
0x0: {  	(pc) =	sbr.rel $0x88, $3  }
0x1: {  	(tag) =	ssettag $0x0;
	lr =	simm.s32 $0x1  }
0x2: {  	[smem:$0x3F95] =	sst lr;
	_ =	strace $0xD0000000  }
0x3: {  	_ = 	snop  }
0x4: {  	_ = 	snop  }
0x5: {  	_ = 	snop  }
0x6: {  	_ = 	snop  }
0x7: {  	_ = 	snop  }
__scs_overlays_trampoline_lowered:
0x8: {  	[smem:$0x3FA4] =	sst s0  }
0x9: {  	[smem:$0x3FA5] =	sst s1  }
0xa: {  	[smem:$0x3FA6] =	sst s2  }
0xb: {  	[smem:$0x3FA7] =	sst s3  }
0xc: {  	[smem:$0x3FA8] =	sst s4  }
0xd: {  	[smem:$0x3FA9] =	sst s5  }
0xe: {  	[smem:$0x3FAA] =	sst s6  }
0xf: {  	[smem:$0x3FAB] =	sst s7  }
0x10: {  	[smem:$0x3FAC] =	sst s8  }
0x11: {  	[smem:$0x3FAD] =	sst s9;
	s0 =	simm.s32 @!p0 $0x0  }
0x12: {  	s1 =	sld [smem:$0x3F93];
	s0 =	simm.s32 @p0 $0x1  }
0x13: {  	[smem:$0x3FAE] =	sst s0;
	s0 =	simm.s32 @!p1 $0x0  }
0x14: {  	s2 =	sld [smem:$0x3F92];
	s0 =	simm.s32 @p1 $0x1  }
0x15: {  	[smem:$0x3FAF] =	sst s0;
	s0 =	simm.s32 @!p2 $0x0  }
0x16: {  	s3 =	sld [smem:$0x3FDB];
	s0 =	simm.s32 @p2 $0x1  }
0x17: {  	s4 =	simm.s32 $0x1BF5;
	[smem:$0x3FB1] =	sst s0  }
0x18: {  	s0 =	sld [smem:$0x3F94];
	_ =	swait.ge [sflag:s4], $0x0  }
0x19: {  	s7 =	sld [smem:$0x3F95]  }
0x1a: {  	s8 =	sadd.s32 $0xFFFFE003, lr  }
0x1b: {  	s9 =	sadd.s32 $0xFFFFFEF7, lr;
	s5 =	simm.s32 $0xFFFFFFFF;
	p2 =	slt.u32 s8, $0xFFFFF086  }
0x1c: {  	p1 =	slt.u32 s9, $0xF7A;
	s5 =	simm.s32 @!p2 $0x0  }
0x1d: {  	s5 =	simm.s32 @p1 $0x1;
	p0 =	seq.s32 s7, s2  }
0x1e: {  	s7 =	smul.u32 @!p0 $0xF7A, s2;
	p2 =	seq.s32 @!p0 s5, $0x0  }
0x1f: {  	s9 =	smul.u32 $0xF7A, s1;
	s8 =	simm.s32 @!p0 $0x1BF5;
	p2 =	por !p2, p0  }
0x20: {  	[sflag:s8] =	ssyncset.s32 @!p0 $0xFFFFF086;
	s6 =	sadd.s32 @!p0 s3, s7;
	s7 =	simm.s32 @!p0 $0x108  }
0x21: {  	s3 =	sadd.s32 s3, s9;
	s6 =	sadd.s32 @!p0 $0x88, s6;
	s7 =	simm.s32 @p2 $0x1082  }
0x22: {  	[simem:s7], [sflag:s8] =	dma.local @!p0 [hbm:s6], $0xF7A  }
0x23: {  	s9 =	sor.u32 $0xD0000000, s2;
	s6 =	simm.s32 $0x108;
	_ =	swait.ge @!p0 [sflag:s8], $0x0  }
0x24: {  	s3 =	sadd.s32 $0x88, s3;
	s6 =	simm.s32 @!p1 $0x1082;
	[sflag:s4] =	ssyncset.s32 $0xFFFFF086  }
0x25: {  	[simem:s6], [sflag:s4] =	dma.local [hbm:s3], $0xF7A  }
0x26: {  	[smem:$0x3F95] =	sst s1;
	(tag) =	ssettag s2;
	_ =	strace s9  }
0x27: {  	s1 =	sld [smem:$0x3FA5]  }
0x28: {  	s2 =	sld [smem:$0x3FA6]  }
0x29: {  	s4 =	sld [smem:$0x3FA8]  }
0x2a: {  	p0 =	seq.s32 s5, $0x0;
	s5 =	sld [smem:$0x3FA9]  }
0x2b: {  	s6 =	sld [smem:$0x3FAA]  }
0x2c: {  	s7 =	sld [smem:$0x3FAB]  }
0x2d: {  	s3 =	simm.s32 $0x108;
	s8 =	sld [smem:$0x3FAC]  }
0x2e: {  	s3 =	simm.s32 @!p0 $0x1082;
	s9 =	sld [smem:$0x3FAD]  }
0x2f: {  	lr =	sadd.s32 s0, s3;
	s0 =	sld [smem:$0x3FA4]  }
0x30: {  	s3 =	sld [smem:$0x3FA7]  }
0x31: {  	[smem:$0x3FB0] =	sst s10  }
0x32: {  	s10 =	sld [smem:$0x3FAE];
	_ =	sdelay $0x3  }
0x33: {  	p0 =	seq.s32 s10, $0x1;
	s10 =	sld [smem:$0x3FB0];
	_ =	sdelay $0x3  }
0x34: {  	[smem:$0x3FB0] =	sst s10  }
0x35: {  	s10 =	sld [smem:$0x3FAF];
	_ =	sdelay $0x3  }
0x36: {  	p1 =	seq.s32 s10, $0x1;
	s10 =	sld [smem:$0x3FB0];
	_ =	sdelay $0x3  }
0x37: {  	[smem:$0x3FB0] =	sst s10  }
0x38: {  	s10 =	sld [smem:$0x3FB1]  }
0x39: {  	_ = 	snop;
	(pc) =	sbr.ind lr, $3  }
0x3a: {  	_ = 	snop  }
0x3b: {  	_ = 	snop  }
0x3c: {  	p2 =	seq.s32 s10, $0x1;
	s10 =	sld [smem:$0x3FB0]  }
0x3d: {  	_ =	shalt  }
0x3e: {  	_ =	shalt  }
0x3f: {  	_ =	shalt  }
0x40: {  	_ =	shalt  }
0x41: {  	_ =	shalt  }
0x42: {  	_ =	shalt  }
0x43: {  	_ =	shalt  }
0x44: {  	_ =	shalt  }
0x45: {  	_ =	shalt  }
0x46: {  	_ =	shalt  }
0x47: {  	_ =	shalt  }
0x48: {  	_ =	shalt  }
0x49: {  	_ =	shalt  }
0x4a: {  	_ =	shalt  }
0x4b: {  	_ =	shalt  }
0x4c: {  	_ =	shalt  }
0x4d: {  	_ =	shalt  }
0x4e: {  	_ =	shalt  }
0x4f: {  	_ =	shalt  }
0x50: {  	_ =	shalt  }
0x51: {  	_ =	shalt  }
0x52: {  	_ =	shalt  }
0x53: {  	_ =	shalt  }
0x54: {  	_ =	shalt  }
0x55: {  	_ =	shalt  }
0x56: {  	_ =	shalt  }
0x57: {  	_ =	shalt  }
0x58: {  	_ =	shalt  }
0x59: {  	_ =	shalt  }
0x5a: {  	_ =	shalt  }
0x5b: {  	_ =	shalt  }
0x5c: {  	_ =	shalt  }
0x5d: {  	_ =	shalt  }
0x5e: {  	_ =	shalt  }
0x5f: {  	_ =	shalt  }
0x60: {  	_ =	shalt  }
0x61: {  	_ =	shalt  }
0x62: {  	_ =	shalt  }
0x63: {  	_ =	shalt  }
0x64: {  	_ =	shalt  }
0x65: {  	_ =	shalt  }
0x66: {  	_ =	shalt  }
0x67: {  	_ =	shalt  }
0x68: {  	_ =	shalt  }
0x69: {  	_ =	shalt  }
0x6a: {  	_ =	shalt  }
0x6b: {  	_ =	shalt  }
0x6c: {  	_ =	shalt  }
0x6d: {  	_ =	shalt  }
0x6e: {  	_ =	shalt  }
0x6f: {  	_ =	shalt  }
0x70: {  	_ =	shalt  }
0x71: {  	_ =	shalt  }
0x72: {  	_ =	shalt  }
0x73: {  	_ =	shalt  }
0x74: {  	_ =	shalt  }
0x75: {  	_ =	shalt  }
0x76: {  	_ =	shalt  }
0x77: {  	_ =	shalt  }
0x78: {  	_ =	shalt  }
0x79: {  	_ =	shalt  }
0x7a: {  	_ =	shalt  }
0x7b: {  	_ =	shalt  }
0x7c: {  	_ =	shalt  }
0x7d: {  	_ =	shalt  }
0x7e: {  	_ =	shalt  }
0x7f: {  	_ =	shalt  }
0x80: {  	_ =	shalt  }
0x81: {  	_ =	shalt  }
0x82: {  	_ =	shalt  }
0x83: {  	_ =	shalt  }
0x84: {  	_ =	shalt  }
0x85: {  	_ =	shalt  }
0x86: {  	_ =	shalt  }
0x87: {  	_ =	shalt  }
.Lfunc_end0:
.L_simem_size_0:
called_computation_lowered:
.L_overlay_start_0:
0x88: {  	s2 =	sld [smem:$0x3FD9]  }
0x89: {  	s3 =	sld [smem:$0x3FFE];
	_ =	sdelay $0x1  }
0x8a: {  	s1 =	srdreg.scid  }
0x8b: {  	s0 =	sand.u32 $0x1, s1  }
0x8c: {  	s17 =	sshll.u32 s0, $0xA;
	s2 =	sadd.s32 s3, s2  }
0x8d: {  	s2 =	sadd.s32 s2, s17  }
0x8e: {  	[smem:$0x3FBC] =	sst s2  }
0x8f: {  	_ = 	snop  }
0x90: {  	s2 =	sld [smem:$0x3FC9];
	(tm) =	ssettm $0x1  }
0x91: {  	s18 =	sld [smem:$0x3FFB];
	_ =	sdelay $0x3  }
0x92: {  	_ =	strace s18  }
0x93: {  	s3 =	sld [smem:$0x3FFC];
	_ =	sdelay $0x3  }
0x94: {  	_ =	strace s3  }
0x95: {  	s3 =	sld [smem:$0x3FFD];
	_ =	sdelay $0x3  }
0x96: {  	_ =	strace s3  }
0x97: {  	_ =	strace $0x8FFFFFFF  }
0x98: {  	s19 =	sld [smem:$0x3FDB];
	_ =	sdelay $0x1  }
0x99: {  	s4 =	simm.s32 $_scs_section_size  }
0x9a: {  	s5 =	simm.s32 $_size__tile_overlayer_lowered;
	s6 =	simm.s32 $_tile_overlayer_lowered  }
0x9b: {  	s22 =	simm.s32 $0x1BFF;
	s21 =	sshll.u32 s6, $0x1;
	s3 =	sadd.s32 s4, s19  }
0x9c: {  	s7 =	simm.s32 $0x0;
	s20 =	sshll.u32 s5, $0x1;
	s5 =	sadd.s32 s21, s3  }
0x9d: {  	[timem:s7], [sflag:s22] =	dma.local [hbm:s5], s20  }
0x9e: {  	_ =	swait.ge [sflag:s22], s20  }
0x9f: {  	s4 =	ssub.s32 $0x0, s20;
	[sflag:s22] =	ssyncset.done $0x0  }
0xa0: {  	[sflag:s22] =	ssyncadd.s32 s4;
	_ =	sdelay $0x1  }
0xa1: {  	s23 =	simm.s32 $0x1B8B  }
0xa2: {  	_ =	swait.ge [sflag:s23], $0x1  }
0xa3: {  	[sflag:s23] =	ssyncset.done $0x0  }
0xa4: {  	s25 =	simm.s32 $0x1B8E;
	s24 =	sld [smem:$0x3FFE];
	[sflag:s23] =	ssyncadd.s32 $0xFFFFFFFF  }
0xa5: {  	s26 =	simm.s32 $execute0_lowered;
	[smem:$0x3FD2] =	sst s25  }
0xa6: {  	s5 =	sshll.u32 s26, $0x1;
	_ =	strace $0x80000046;
	[dreg:$0x1] =	wrdreg $0xFFFFFFFF  }
0xa7: {  	s28 =	simm.s32 $_size_execute0_lowered;
	s3 =	sadd.s32 s3, s5;
	[dreg:$0x0] =	wrdreg $0x0  }
0xa8: {  	s5 =	sshll.u32 s28, $0x1;
	[dreg:$0x2] =	wrdreg s3  }
0xa9: {  	[dreg:$0x3] =	wrdreg s5  }
0xaa: {  	[dreg:$0x4] =	wrdreg $0xC0  }
0xab: {  	_ =	task [dreg:s7], $0x5FFFF  }
0xac: {  	[dreg:$0x1] =	wrdreg $0xFFFFFFFF  }
0xad: {  	[dreg:$0x0] =	wrdreg $0x60  }
0xae: {  	[dreg:$0x2] =	wrdreg s2  }
0xaf: {  	[dreg:$0x3] =	wrdreg s24  }
0xb0: {  	[dreg:$0x4] =	wrdreg $0x9  }
0xb1: {  	_ =	task.clear_ibuf [dreg:s7], $0x5FFFF;
	_ =	strace $0x90000046  }
0xb2: {  	s29 =	simm.s32 $0x9;
	_ =	strace $0x80000048  }
0xb3: {  	_ =	swait.ge [sflag:s29], $0x1  }
0xb4: {  	[sflag:s29] =	ssyncadd.s32 $0xFFFFFFFF  }
0xb5: {  	_ =	strace $0x90000048  }
0xb6: {  	_ =	sfence  }
0xb7: {  	s30 =	sld [smem:$0x0];
	_ =	sdelay $0x2  }
0xb8: {  	s31 =	sshll.u32 s1, $0xD;
	s1 =	sshrl.u32 s1, $0x2  }
0xb9: {  	s3 =	sand.u32 $0x4000, s31;
	s1 =	sadd.s32 s1, s30  }
0xba: {  	s0 =	sor.u32 s3, s0;
	s1 =	sshll.u32 s1, $0x11  }
0xbb: {  	s0 =	sor.u32 s1, s0  }
0xbc: {  	s0 =	sadd.s32 $0x8F2B, s0  }
0xbd: {  	[sflag:s0] =	ssyncadd.remote.s32 $0x1  }
0xbe: {  	_ =	sfence.sel $0xFFFF  }
0xbf: {  	[dreg:$0x0] =	wrdreg $0xFFFFFFFF;
	(pc) =	sbr.abs _section_cstart, $3  }
0xc0: {  	[dreg:$0x1] =	wrdreg $0xFFFFFFFF  }
0xc1: {  	_ =	task.clear_ibuf [dreg:s7], $0x2FFFF;
	_ =	strace $0x9FFFFFFF  }
0xc2: {  	(tm) =	ssettm $0x7FFFFFFF  }
0xc3: {  	_ =	shalt  }
tec
execute0_lowered:
.L_overlay_start_1:
0x0: {  	(tag) =	ssettag $0x1  }
0x1: {  	s1 =	srdreg.scid  }
0x2: {  	s5 =	rddreg [dreg:$0x0];
	s0 =	stileid.u32;
	s22 =	sand.u32 $0x1, s1  }
0x3: {  	s14 =	rddreg [dreg:$0x1];
	s3 =	sshll.u32 s0, $0xA;
	s4 =	sshll.u32 s22, $0x9  }
0x4: {  	s2 =	simm.s32 $0x0;
	s1 =	rddreg [dreg:$0x2];
	s6 =	sor.u32 s4, s3  }
0x5: {  	[smem:$0x7FF] =	sst s2;
	s3 =	sshrl.u32 s6, $0x3  }
0x6: {  	_ =	strace $0x80000047;
	s4 =	simm.s32 $0x6;
	s3 =	sadd.s32 s14, s3  }
0x7: {  	[tilespmem:s2], [sflag:$0x6] =	stream.linear.gather [hbm4b:s3+s2], $0x200, $0x38;
	[tilespmem:$0x10200] =	vst v63  }
0x8: {  	_ =	swait.ge [sflag:s4], $0x200  }
0x9: {  	s6 =	sshll.u32 s6, $0x4;
	[sflag:s4] =	ssyncset.done $0x0  }
0xa: {  	s5 =	sadd.s32 s5, s6;
	s6 =	simm.s32 $0x200;
	[sflag:s4] =	ssyncadd.s32 $0xFFFFFE00  }
0xb: {  	[tilespmem:s6], [sflag:$0x1] =	stream.linear.gather [hbm4b:s5+s2], $0x4000, $0x38;
	[tilespmem:$0x10200] =	vst v63  }
0xc: {  	s8 =	simm.s32 $0x4200;
	s7 =	sadd.s32 $0x800, s5  }
0xd: {  	[tilespmem:s8], [sflag:$0x2] =	stream.linear.gather [hbm4b:s7+s2], $0x4000, $0x38;
	[tilespmem:$0x10200] =	vst v63  }
0xe: {  	s10 =	simm.s32 $0x8200;
	s9 =	sadd.s32 $0x1000, s5  }
0xf: {  	[tilespmem:s10], [sflag:$0x3] =	stream.linear.gather [hbm4b:s9+s2], $0x4000, $0x38;
	[tilespmem:$0x10200] =	vst v63  }
0x10: {  	s12 =	simm.s32 $0xC200;
	s13 =	simm.s32 $0x1;
	s11 =	sadd.s32 $0x1800, s5  }
0x11: {  	[tilespmem:s12], [sflag:$0x4] =	stream.linear.gather [hbm4b:s11+s2], $0x4000, $0x38;
	[tilespmem:$0x10200] =	vst v63  }
0x12: {  	_ =	swait.ge [sflag:s13], $0x4000  }
0x13: {  	s15 =	simm.s32 $0x80;
	[sflag:s13] =	ssyncset.done $0x0  }
0x14: {  	s16 =	simm.s32 $0x2;
	s14 =	sadd.s32 $0x800, s14;
	[sflag:s13] =	ssyncadd.s32 $0xFFFFC000  }
0x15: {  	[hbm4b:s14+s15] =	stream.indirect.scatter [tilespmem:s6], [sflag:$0x5], $0x80, s2, s15, $0xb8;
	[tilespmem:$0x10200] =	vst v63  }
0x16: {  	_ =	swait.ge [sflag:s16], $0x4000  }
0x17: {  	[sflag:s16] =	ssyncset.done $0x0  }
0x18: {  	s17 =	simm.s32 $0x3;
	[sflag:s16] =	ssyncadd.s32 $0xFFFFC000  }
0x19: {  	[hbm4b:s14+s15] =	stream.indirect.scatter [tilespmem:s8], [sflag:$0x5], $0x80, s15, s15, $0xb8;
	[tilespmem:$0x10200] =	vst v63  }
0x1a: {  	_ =	swait.ge [sflag:s17], $0x4000  }
0x1b: {  	[sflag:s17] =	ssyncset.done $0x0  }
0x1c: {  	s18 =	simm.s32 $0x100;
	s19 =	simm.s32 $0x4;
	[sflag:s17] =	ssyncadd.s32 $0xFFFFC000  }
0x1d: {  	[hbm4b:s14+s15] =	stream.indirect.scatter [tilespmem:s10], [sflag:$0x5], $0x80, s18, s15, $0xb8;
	[tilespmem:$0x10200] =	vst v63  }
0x1e: {  	_ =	swait.ge [sflag:s19], $0x4000  }
0x1f: {  	[sflag:s19] =	ssyncset.done $0x0  }
0x20: {  	s21 =	simm.s32 $0x180;
	s20 =	simm.s32 $0x5;
	[sflag:s19] =	ssyncadd.s32 $0xFFFFC000  }
0x21: {  	[hbm4b:s14+s15] =	stream.indirect.scatter [tilespmem:s12], [sflag:$0x5], $0x80, s21, s15, $0xb8;
	[tilespmem:$0x10200] =	vst v63  }
0x22: {  	_ =	swait.ge [sflag:s20], $0x4000  }
0x23: {  	s22 =	ssub.s32 $0x2, s22;
	[sflag:s20] =	ssyncset.done $0x0  }
0x24: {  	s23 =	sshrl.u32 s22, $0x1;
	[sflag:s20] =	ssyncadd.s32 $0xFFFFC000  }
0x25: {  	s22 =	ssub.s32 s22, s23;
	_ =	swait.ge [sflag:s20], $0x4000  }
0x26: {  	s22 =	smax.u32 s22, $0x1;
	[sflag:s20] =	ssyncset.done $0x0  }
0x27: {  	p0 =	sne.s32 s22, $0x1;
	[sflag:s20] =	ssyncadd.s32 $0xFFFFC000  }
.Ltmp0:
0x28: {  	_ =	swait.ge [sflag:s20], $0x4000;
	(pc) =	sbr.rel @!p0 .LBB2_2-.Ltmp0, $4  }
0x29: {  	[sflag:s20] =	ssyncset.done $0x0  }
0x2a: {  	[sflag:s20] =	ssyncadd.s32 $0xFFFFC000  }
0x2b: {  	_ =	swait.ge [sflag:s20], $0x4000  }
0x2c: {  	s22 =	sadd.s32 $0xFFFFFFFF, s22;
	[sflag:s20] =	ssyncset.done $0x0  }
.LBB2_1:
0x2d: {  	p0 =	sne.s32 s22, $0x1;
	s22 =	sadd.s32 $0xFFFFFFFF, s22;
	[sflag:s20] =	ssyncadd.s32 $0xFFFFC000  }
0x2e: {  	[tilespmem:s2], [sflag:$0x6] =	stream.linear.gather [hbm4b:s3+s2], $0x200, $0x38;
	[tilespmem:$0x10200] =	vst v63  }
0x2f: {  	_ =	swait.ge [sflag:s4], $0x200  }
0x30: {  	[sflag:s4] =	ssyncset.done $0x0  }
0x31: {  	[sflag:s4] =	ssyncadd.s32 $0xFFFFFE00  }
0x32: {  	[tilespmem:s6], [sflag:$0x1] =	stream.linear.gather [hbm4b:s5+s2], $0x4000, $0x38;
	[tilespmem:$0x10200] =	vst v63  }
0x33: {  	_ = 	snop  }
0x34: {  	[tilespmem:s8], [sflag:$0x2] =	stream.linear.gather [hbm4b:s7+s2], $0x4000, $0x38;
	[tilespmem:$0x10200] =	vst v63  }
0x35: {  	_ = 	snop  }
0x36: {  	[tilespmem:s10], [sflag:$0x3] =	stream.linear.gather [hbm4b:s9+s2], $0x4000, $0x38;
	[tilespmem:$0x10200] =	vst v63  }
0x37: {  	_ = 	snop  }
0x38: {  	[tilespmem:s12], [sflag:$0x4] =	stream.linear.gather [hbm4b:s11+s2], $0x4000, $0x38;
	[tilespmem:$0x10200] =	vst v63  }
0x39: {  	_ =	swait.ge [sflag:s13], $0x4000  }
0x3a: {  	[sflag:s13] =	ssyncset.done $0x0  }
0x3b: {  	[sflag:s13] =	ssyncadd.s32 $0xFFFFC000  }
0x3c: {  	[hbm4b:s14+s15] =	stream.indirect.scatter [tilespmem:s6], [sflag:$0x5], $0x80, s2, s15, $0xb8;
	[tilespmem:$0x10200] =	vst v63  }
0x3d: {  	_ =	swait.ge [sflag:s16], $0x4000  }
0x3e: {  	[sflag:s16] =	ssyncset.done $0x0  }
0x3f: {  	[sflag:s16] =	ssyncadd.s32 $0xFFFFC000  }
0x40: {  	[hbm4b:s14+s15] =	stream.indirect.scatter [tilespmem:s8], [sflag:$0x5], $0x80, s15, s15, $0xb8;
	[tilespmem:$0x10200] =	vst v63  }
0x41: {  	_ =	swait.ge [sflag:s17], $0x4000  }
0x42: {  	[sflag:s17] =	ssyncset.done $0x0  }
0x43: {  	[sflag:s17] =	ssyncadd.s32 $0xFFFFC000  }
0x44: {  	[hbm4b:s14+s15] =	stream.indirect.scatter [tilespmem:s10], [sflag:$0x5], $0x80, s18, s15, $0xb8;
	[tilespmem:$0x10200] =	vst v63  }
0x45: {  	_ =	swait.ge [sflag:s19], $0x4000  }
0x46: {  	[sflag:s19] =	ssyncset.done $0x0  }
0x47: {  	[sflag:s19] =	ssyncadd.s32 $0xFFFFC000  }
0x48: {  	[hbm4b:s14+s15] =	stream.indirect.scatter [tilespmem:s12], [sflag:$0x5], $0x80, s21, s15, $0xb8;
	[tilespmem:$0x10200] =	vst v63  }
0x49: {  	_ =	swait.ge [sflag:s20], $0x4000  }
0x4a: {  	[sflag:s20] =	ssyncset.done $0x0  }
0x4b: {  	[sflag:s20] =	ssyncadd.s32 $0xFFFFC000  }
0x4c: {  	_ =	swait.ge [sflag:s20], $0x4000  }
0x4d: {  	[sflag:s20] =	ssyncset.done $0x0  }
0x4e: {  	[sflag:s20] =	ssyncadd.s32 $0xFFFFC000  }
.Ltmp1:
0x4f: {  	_ =	swait.ge [sflag:s20], $0x4000;
	(pc) =	sbr.rel @p0 .LBB2_1-.Ltmp1, $4  }
0x50: {  	[sflag:s20] =	ssyncset.done $0x0  }
0x51: {  	[sflag:s20] =	ssyncadd.s32 $0xFFFFC000  }
0x52: {  	_ =	swait.ge [sflag:s20], $0x4000  }
0x53: {  	[sflag:s20] =	ssyncset.done $0x0  }
.LBB2_2:
0x54: {  	[sflag:s20] =	ssyncadd.s32 $0xFFFFC000  }
0x55: {  	_ =	sfence.sel $0x180000  }
0x56: {  	[bflag:$0x0] =	sbarrier.arrive $0xFFFF  }
0x57: {  	p0 =	sne.s32 s0, $0x0;
	_ =	strace $0x90000047  }
0x58: {  	s0 =	sadd.s32 @!p0 $0x100000, s1;
	[bflag:$0x2] =	sbarrier.arrive $0xFFFF  }
0x59: {  	[sflag:s0] =	ssyncadd.tile.s32 @!p0 $0x1;
	_ =	shalt  }
.Lfunc_end2:
_tile_overlayer_lowered:
.L_overlay_start_2:
0x5a: {  	(tag) =	ssettag $0x2  }
0x5b: {  	s0 =	rddreg [dreg:$0x0];
	s2 =	stileid.u32  }
0x5c: {  	s1 =	rddreg [dreg:$0x1];
	p0 =	sne.s32 s2, $0x0  }
0x5d: {  	s3 =	rddreg [dreg:$0x2];
	[bflag:$0x3] =	sbarrier.arrive $0xFFFF;
	s2 =	simm.s32 @!p0 $0x1C06  }
0x5e: {  	[timem:s3], [sflag:s2] =	dma.local @!p0 [hbm:s0], s1  }
0x5f: {  	s0 =	simm.s32 @!p0 $0x6  }
0x60: {  	_ =	swait.ge @!p0 [sflag:s0], s1  }
0x61: {  	s1 =	ssub.s32 @!p0 $0x0, s1;
	[sflag:s0] =	ssyncset.done @!p0 $0x0  }
0x62: {  	[sflag:s0] =	ssyncadd.s32 @!p0 s1  }
0x63: {  	[bflag:$0x3] =	sbarrier.arrive $0xFFFF  }
0x64: {  	_ =	shalt  }

// kernel: kernel.8.cloned.1.call-start
scs
__scs_entry_jumppad:
0x0: {  	(pc) =	sbr.rel $0x88, $3  }
0x1: {  	(tag) =	ssettag $0x0;
	lr =	simm.s32 $0x1  }
0x2: {  	[smem:$0x3F95] =	sst lr;
	_ =	strace $0xD0000000  }
0x3: {  	_ = 	snop  }
0x4: {  	_ = 	snop  }
0x5: {  	_ = 	snop  }
0x6: {  	_ = 	snop  }
0x7: {  	_ = 	snop  }
__scs_overlays_trampoline_lowered:
0x8: {  	[smem:$0x3FA4] =	sst s0  }
0x9: {  	[smem:$0x3FA5] =	sst s1  }
0xa: {  	[smem:$0x3FA6] =	sst s2  }
0xb: {  	[smem:$0x3FA7] =	sst s3  }
0xc: {  	[smem:$0x3FA8] =	sst s4  }
0xd: {  	[smem:$0x3FA9] =	sst s5  }
0xe: {  	[smem:$0x3FAA] =	sst s6  }
0xf: {  	[smem:$0x3FAB] =	sst s7  }
0x10: {  	[smem:$0x3FAC] =	sst s8  }
0x11: {  	[smem:$0x3FAD] =	sst s9;
	s0 =	simm.s32 @!p0 $0x0  }
0x12: {  	s1 =	sld [smem:$0x3F93];
	s0 =	simm.s32 @p0 $0x1  }
0x13: {  	[smem:$0x3FAE] =	sst s0;
	s0 =	simm.s32 @!p1 $0x0  }
0x14: {  	s2 =	sld [smem:$0x3F92];
	s0 =	simm.s32 @p1 $0x1  }
0x15: {  	[smem:$0x3FAF] =	sst s0;
	s0 =	simm.s32 @!p2 $0x0  }
0x16: {  	s3 =	sld [smem:$0x3FDB];
	s0 =	simm.s32 @p2 $0x1  }
0x17: {  	s4 =	simm.s32 $0x1BF5;
	[smem:$0x3FB1] =	sst s0  }
0x18: {  	s0 =	sld [smem:$0x3F94];
	_ =	swait.ge [sflag:s4], $0x0  }
0x19: {  	s7 =	sld [smem:$0x3F95]  }
0x1a: {  	s8 =	sadd.s32 $0xFFFFE003, lr  }
0x1b: {  	s9 =	sadd.s32 $0xFFFFFEF7, lr;
	s5 =	simm.s32 $0xFFFFFFFF;
	p2 =	slt.u32 s8, $0xFFFFF086  }
0x1c: {  	p1 =	slt.u32 s9, $0xF7A;
	s5 =	simm.s32 @!p2 $0x0  }
0x1d: {  	s5 =	simm.s32 @p1 $0x1;
	p0 =	seq.s32 s7, s2  }
0x1e: {  	s7 =	smul.u32 @!p0 $0xF7A, s2;
	p2 =	seq.s32 @!p0 s5, $0x0  }
0x1f: {  	s9 =	smul.u32 $0xF7A, s1;
	s8 =	simm.s32 @!p0 $0x1BF5;
	p2 =	por !p2, p0  }
0x20: {  	[sflag:s8] =	ssyncset.s32 @!p0 $0xFFFFF086;
	s6 =	sadd.s32 @!p0 s3, s7;
	s7 =	simm.s32 @!p0 $0x108  }
0x21: {  	s3 =	sadd.s32 s3, s9;
	s6 =	sadd.s32 @!p0 $0x88, s6;
	s7 =	simm.s32 @p2 $0x1082  }
0x22: {  	[simem:s7], [sflag:s8] =	dma.local @!p0 [hbm:s6], $0xF7A  }
0x23: {  	s9 =	sor.u32 $0xD0000000, s2;
	s6 =	simm.s32 $0x108;
	_ =	swait.ge @!p0 [sflag:s8], $0x0  }
0x24: {  	s3 =	sadd.s32 $0x88, s3;
	s6 =	simm.s32 @!p1 $0x1082;
	[sflag:s4] =	ssyncset.s32 $0xFFFFF086  }
0x25: {  	[simem:s6], [sflag:s4] =	dma.local [hbm:s3], $0xF7A  }
0x26: {  	[smem:$0x3F95] =	sst s1;
	(tag) =	ssettag s2;
	_ =	strace s9  }
0x27: {  	s1 =	sld [smem:$0x3FA5]  }
0x28: {  	s2 =	sld [smem:$0x3FA6]  }
0x29: {  	s4 =	sld [smem:$0x3FA8]  }
0x2a: {  	p0 =	seq.s32 s5, $0x0;
	s5 =	sld [smem:$0x3FA9]  }
0x2b: {  	s6 =	sld [smem:$0x3FAA]  }
0x2c: {  	s7 =	sld [smem:$0x3FAB]  }
0x2d: {  	s3 =	simm.s32 $0x108;
	s8 =	sld [smem:$0x3FAC]  }
0x2e: {  	s3 =	simm.s32 @!p0 $0x1082;
	s9 =	sld [smem:$0x3FAD]  }
0x2f: {  	lr =	sadd.s32 s0, s3;
	s0 =	sld [smem:$0x3FA4]  }
0x30: {  	s3 =	sld [smem:$0x3FA7]  }
0x31: {  	[smem:$0x3FB0] =	sst s10  }
0x32: {  	s10 =	sld [smem:$0x3FAE];
	_ =	sdelay $0x3  }
0x33: {  	p0 =	seq.s32 s10, $0x1;
	s10 =	sld [smem:$0x3FB0];
	_ =	sdelay $0x3  }
0x34: {  	[smem:$0x3FB0] =	sst s10  }
0x35: {  	s10 =	sld [smem:$0x3FAF];
	_ =	sdelay $0x3  }
0x36: {  	p1 =	seq.s32 s10, $0x1;
	s10 =	sld [smem:$0x3FB0];
	_ =	sdelay $0x3  }
0x37: {  	[smem:$0x3FB0] =	sst s10  }
0x38: {  	s10 =	sld [smem:$0x3FB1]  }
0x39: {  	_ = 	snop;
	(pc) =	sbr.ind lr, $3  }
0x3a: {  	_ = 	snop  }
0x3b: {  	_ = 	snop  }
0x3c: {  	p2 =	seq.s32 s10, $0x1;
	s10 =	sld [smem:$0x3FB0]  }
0x3d: {  	_ =	shalt  }
0x3e: {  	_ =	shalt  }
0x3f: {  	_ =	shalt  }
0x40: {  	_ =	shalt  }
0x41: {  	_ =	shalt  }
0x42: {  	_ =	shalt  }
0x43: {  	_ =	shalt  }
0x44: {  	_ =	shalt  }
0x45: {  	_ =	shalt  }
0x46: {  	_ =	shalt  }
0x47: {  	_ =	shalt  }
0x48: {  	_ =	shalt  }
0x49: {  	_ =	shalt  }
0x4a: {  	_ =	shalt  }
0x4b: {  	_ =	shalt  }
0x4c: {  	_ =	shalt  }
0x4d: {  	_ =	shalt  }
0x4e: {  	_ =	shalt  }
0x4f: {  	_ =	shalt  }
0x50: {  	_ =	shalt  }
0x51: {  	_ =	shalt  }
0x52: {  	_ =	shalt  }
0x53: {  	_ =	shalt  }
0x54: {  	_ =	shalt  }
0x55: {  	_ =	shalt  }
0x56: {  	_ =	shalt  }
0x57: {  	_ =	shalt  }
0x58: {  	_ =	shalt  }
0x59: {  	_ =	shalt  }
0x5a: {  	_ =	shalt  }
0x5b: {  	_ =	shalt  }
0x5c: {  	_ =	shalt  }
0x5d: {  	_ =	shalt  }
0x5e: {  	_ =	shalt  }
0x5f: {  	_ =	shalt  }
0x60: {  	_ =	shalt  }
0x61: {  	_ =	shalt  }
0x62: {  	_ =	shalt  }
0x63: {  	_ =	shalt  }
0x64: {  	_ =	shalt  }
0x65: {  	_ =	shalt  }
0x66: {  	_ =	shalt  }
0x67: {  	_ =	shalt  }
0x68: {  	_ =	shalt  }
0x69: {  	_ =	shalt  }
0x6a: {  	_ =	shalt  }
0x6b: {  	_ =	shalt  }
0x6c: {  	_ =	shalt  }
0x6d: {  	_ =	shalt  }
0x6e: {  	_ =	shalt  }
0x6f: {  	_ =	shalt  }
0x70: {  	_ =	shalt  }
0x71: {  	_ =	shalt  }
0x72: {  	_ =	shalt  }
0x73: {  	_ =	shalt  }
0x74: {  	_ =	shalt  }
0x75: {  	_ =	shalt  }
0x76: {  	_ =	shalt  }
0x77: {  	_ =	shalt  }
0x78: {  	_ =	shalt  }
0x79: {  	_ =	shalt  }
0x7a: {  	_ =	shalt  }
0x7b: {  	_ =	shalt  }
0x7c: {  	_ =	shalt  }
0x7d: {  	_ =	shalt  }
0x7e: {  	_ =	shalt  }
0x7f: {  	_ =	shalt  }
0x80: {  	_ =	shalt  }
0x81: {  	_ =	shalt  }
0x82: {  	_ =	shalt  }
0x83: {  	_ =	shalt  }
0x84: {  	_ =	shalt  }
0x85: {  	_ =	shalt  }
0x86: {  	_ =	shalt  }
0x87: {  	_ =	shalt  }
.Lfunc_end0:
.L_simem_size_0:
called_computation.1_lowered:
.L_overlay_start_0:
0x88: {  	s2 =	sld [smem:$0x3FD9]  }
0x89: {  	s3 =	sld [smem:$0x3FFE];
	_ =	sdelay $0x1  }
0x8a: {  	s1 =	srdreg.scid  }
0x8b: {  	s0 =	sand.u32 $0x1, s1  }
0x8c: {  	s17 =	sshll.u32 s0, $0xA;
	s2 =	sadd.s32 s3, s2  }
0x8d: {  	s2 =	sadd.s32 s2, s17  }
0x8e: {  	[smem:$0x3FBC] =	sst s2  }
0x8f: {  	_ = 	snop  }
0x90: {  	s2 =	sld [smem:$0x3FD0];
	(tm) =	ssettm $0x1  }
0x91: {  	s18 =	sld [smem:$0x3FFB];
	_ =	sdelay $0x3  }
0x92: {  	_ =	strace s18  }
0x93: {  	s3 =	sld [smem:$0x3FFC];
	_ =	sdelay $0x3  }
0x94: {  	_ =	strace s3  }
0x95: {  	s3 =	sld [smem:$0x3FFD];
	_ =	sdelay $0x3  }
0x96: {  	_ =	strace s3  }
0x97: {  	_ =	strace $0x8FFFFFFF  }
0x98: {  	s19 =	sld [smem:$0x3FDB];
	_ =	sdelay $0x1  }
0x99: {  	s4 =	simm.s32 $_scs_section_size  }
0x9a: {  	s5 =	simm.s32 $_size__tile_overlayer_lowered;
	s6 =	simm.s32 $_tile_overlayer_lowered  }
0x9b: {  	s22 =	simm.s32 $0x1BFF;
	s21 =	sshll.u32 s6, $0x1;
	s3 =	sadd.s32 s4, s19  }
0x9c: {  	s7 =	simm.s32 $0x0;
	s20 =	sshll.u32 s5, $0x1;
	s5 =	sadd.s32 s21, s3  }
0x9d: {  	[timem:s7], [sflag:s22] =	dma.local [hbm:s5], s20  }
0x9e: {  	_ =	swait.ge [sflag:s22], s20  }
0x9f: {  	s4 =	ssub.s32 $0x0, s20;
	[sflag:s22] =	ssyncset.done $0x0  }
0xa0: {  	[sflag:s22] =	ssyncadd.s32 s4;
	_ =	sdelay $0x1  }
0xa1: {  	s23 =	simm.s32 $0x1B8B  }
0xa2: {  	_ =	swait.ge [sflag:s23], $0x1  }
0xa3: {  	[sflag:s23] =	ssyncset.done $0x0  }
0xa4: {  	s25 =	simm.s32 $0x1B8E;
	s24 =	sld [smem:$0x3FFE];
	[sflag:s23] =	ssyncadd.s32 $0xFFFFFFFF  }
0xa5: {  	s26 =	simm.s32 $execute0_lowered;
	[smem:$0x3FD2] =	sst s25  }
0xa6: {  	s5 =	sshll.u32 s26, $0x1;
	_ =	strace $0x80000049;
	[dreg:$0x1] =	wrdreg $0xFFFFFFFF  }
0xa7: {  	s28 =	simm.s32 $_size_execute0_lowered;
	s3 =	sadd.s32 s3, s5;
	[dreg:$0x0] =	wrdreg $0x0  }
0xa8: {  	s5 =	sshll.u32 s28, $0x1;
	[dreg:$0x2] =	wrdreg s3  }
0xa9: {  	[dreg:$0x3] =	wrdreg s5  }
0xaa: {  	[dreg:$0x4] =	wrdreg $0xC0  }
0xab: {  	_ =	task [dreg:s7], $0x5FFFF  }
0xac: {  	[dreg:$0x1] =	wrdreg $0xFFFFFFFF  }
0xad: {  	[dreg:$0x0] =	wrdreg $0x60  }
0xae: {  	[dreg:$0x2] =	wrdreg s24  }
0xaf: {  	[dreg:$0x3] =	wrdreg s2  }
0xb0: {  	[dreg:$0x4] =	wrdreg $0x9  }
0xb1: {  	_ =	task.clear_ibuf [dreg:s7], $0x5FFFF;
	_ =	strace $0x90000049  }
0xb2: {  	s29 =	simm.s32 $0x9;
	_ =	strace $0x8000004B  }
0xb3: {  	_ =	swait.ge [sflag:s29], $0x1  }
0xb4: {  	[sflag:s29] =	ssyncadd.s32 $0xFFFFFFFF  }
0xb5: {  	_ =	strace $0x9000004B  }
0xb6: {  	_ =	sfence  }
0xb7: {  	s30 =	sld [smem:$0x0];
	_ =	sdelay $0x2  }
0xb8: {  	s31 =	sshll.u32 s1, $0xD;
	s1 =	sshrl.u32 s1, $0x2  }
0xb9: {  	s3 =	sand.u32 $0x4000, s31;
	s1 =	sadd.s32 s1, s30  }
0xba: {  	s0 =	sor.u32 s3, s0;
	s1 =	sshll.u32 s1, $0x11  }
0xbb: {  	s0 =	sor.u32 s1, s0  }
0xbc: {  	s0 =	sadd.s32 $0x8F2B, s0  }
0xbd: {  	[sflag:s0] =	ssyncadd.remote.s32 $0x1  }
0xbe: {  	_ =	sfence.sel $0xFFFF  }
0xbf: {  	[dreg:$0x0] =	wrdreg $0xFFFFFFFF;
	(pc) =	sbr.abs _section_cstart, $3  }
0xc0: {  	[dreg:$0x1] =	wrdreg $0xFFFFFFFF  }
0xc1: {  	_ =	task.clear_ibuf [dreg:s7], $0x2FFFF;
	_ =	strace $0x9FFFFFFF  }
0xc2: {  	(tm) =	ssettm $0x7FFFFFFF  }
0xc3: {  	_ =	shalt  }
tec
execute0_lowered:
.L_overlay_start_1:
0x0: {  	(tag) =	ssettag $0x1  }
0x1: {  	s2 =	rddreg [dreg:$0x0]  }
0x2: {  	s7 =	rddreg [dreg:$0x1]  }
0x3: {  	s0 =	rddreg [dreg:$0x2]  }
0x4: {  	s3 =	simm.s32 $0x0;
	s4 =	srdreg.scid;
	s1 =	stileid.u32  }
0x5: {  	[smem:$0x7FF] =	sst s3;
	s9 =	sand.u32 $0x1, s4;
	s31 =	sshll.u32 s1, $0x1  }
0x6: {  	s4 =	simm.s32 $0x1;
	_ =	strace $0x8000004A;
	s8 =	sor.u32 s9, s31  }
0x7: {  	[tilespmem:s3], [sflag:$0x1] =	stream.linear.gather [hbm4b:s2+s3], $0x5000, $0x38;
	[tilespmem:$0x6080] =	vst v63  }
0x8: {  	s5 =	sshll.u32 s8, $0x9;
	_ =	swait.ge [sflag:s4], $0x5000  }
0x9: {  	s5 =	sadd.s32 s5, s2;
	[sflag:s4] =	ssyncset.done $0x0  }
0xa: {  	s6 =	simm.s32 $0x5000;
	s5 =	sadd.s32 $0x50800, s5;
	[sflag:s4] =	ssyncadd.s32 $0xFFFFB000  }
0xb: {  	[tilespmem:s6], [sflag:$0x1] =	stream.linear.gather [hbm4b:s5+s3], $0x1000, $0x38;
	[tilespmem:$0x6080] =	vst v63  }
0xc: {  	_ =	swait.ge [sflag:s4], $0x1000  }
0xd: {  	[sflag:s4] =	ssyncset.done $0x0  }
0xe: {  	[sflag:s4] =	ssyncadd.s32 $0xFFFFF000  }
0xf: {  	v0 =	vld [tilespmem:$0x5000];
	_ =	sdelay $0x1  }
0x10: {  	v1 =	vld [tilespmem:$0x5080];
	_ =	sdelay $0x1  }
0x11: {  	v2 =	vld [tilespmem:$0x5100];
	_ =	sdelay $0x1  }
0x12: {  	v3 =	vld [tilespmem:$0x5180]  }
0x13: {  	v4 =	vld [tilespmem:$0x5200]  }
0x14: {  	v0 =	vld.idx.msk [tilespmem:v0+s3+$0x0], $0xffff  }
0x15: {  	v5 =	vld [tilespmem:$0x5280]  }
0x16: {  	v1 =	vld.idx.msk [tilespmem:v1+s3+$0x0], $0xffff  }
0x17: {  	v6 =	vld [tilespmem:$0x5300]  }
0x18: {  	v2 =	vld.idx.msk [tilespmem:v2+s3+$0x0], $0xffff  }
0x19: {  	v7 =	vld [tilespmem:$0x5380];
	v0 =	vadd.f32 $0.0e+00, v0  }
0x1a: {  	v3 =	vld.idx.msk [tilespmem:v3+s3+$0x0], $0xffff  }
0x1b: {  	v8 =	vld [tilespmem:$0x5400];
	v0 =	vadd.f32 v1, v0  }
0x1c: {  	v13 =	vld.idx.msk [tilespmem:v4+s3+$0x0], $0xffff  }
0x1d: {  	v14 =	vld [tilespmem:$0x5480];
	v0 =	vadd.f32 v2, v0  }
0x1e: {  	v15 =	vld.idx.msk [tilespmem:v5+s3+$0x0], $0xffff  }
0x1f: {  	v16 =	vld [tilespmem:$0x5500];
	v0 =	vadd.f32 v3, v0  }
0x20: {  	v17 =	vld.idx.msk [tilespmem:v6+s3+$0x0], $0xffff  }
0x21: {  	v18 =	vld [tilespmem:$0x5580];
	v0 =	vadd.f32 v13, v0  }
0x22: {  	v19 =	vld.idx.msk [tilespmem:v7+s3+$0x0], $0xffff  }
0x23: {  	v20 =	vld [tilespmem:$0x5600];
	v0 =	vadd.f32 v15, v0  }
0x24: {  	v21 =	vld.idx.msk [tilespmem:v8+s3+$0x0], $0xffff  }
0x25: {  	v22 =	vld [tilespmem:$0x5680];
	v0 =	vadd.f32 v17, v0  }
0x26: {  	v23 =	vld.idx.msk [tilespmem:v14+s3+$0x0], $0xffff  }
0x27: {  	v24 =	vld [tilespmem:$0x5700];
	v0 =	vadd.f32 v19, v0  }
0x28: {  	v25 =	vld.idx.msk [tilespmem:v16+s3+$0x0], $0xffff  }
0x29: {  	v26 =	vld [tilespmem:$0x5780];
	v0 =	vadd.f32 v21, v0  }
0x2a: {  	v27 =	vld.idx.msk [tilespmem:v18+s3+$0x0], $0xffff  }
0x2b: {  	v28 =	vld [tilespmem:$0x5800];
	v0 =	vadd.f32 v23, v0  }
0x2c: {  	v29 =	vld.idx.msk [tilespmem:v20+s3+$0x0], $0xffff  }
0x2d: {  	v30 =	vld [tilespmem:$0x5880];
	v0 =	vadd.f32 v25, v0  }
0x2e: {  	v31 =	vld.idx.msk [tilespmem:v22+s3+$0x0], $0xffff  }
0x2f: {  	v32 =	vld [tilespmem:$0x5900];
	v0 =	vadd.f32 v27, v0  }
0x30: {  	v33 =	vld.idx.msk [tilespmem:v24+s3+$0x0], $0xffff  }
0x31: {  	v34 =	vld [tilespmem:$0x5980];
	v0 =	vadd.f32 v29, v0  }
0x32: {  	v35 =	vld.idx.msk [tilespmem:v26+s3+$0x0], $0xffff  }
0x33: {  	v36 =	vld [tilespmem:$0x5A00];
	v0 =	vadd.f32 v31, v0  }
0x34: {  	v37 =	vld.idx.msk [tilespmem:v28+s3+$0x0], $0xffff  }
0x35: {  	v38 =	vld [tilespmem:$0x5A80];
	v0 =	vadd.f32 v33, v0  }
0x36: {  	v39 =	vld.idx.msk [tilespmem:v30+s3+$0x0], $0xffff  }
0x37: {  	v40 =	vld [tilespmem:$0x5B00];
	v0 =	vadd.f32 v35, v0  }
0x38: {  	v41 =	vld.idx.msk [tilespmem:v32+s3+$0x0], $0xffff  }
0x39: {  	v42 =	vld [tilespmem:$0x5B80];
	v0 =	vadd.f32 v37, v0  }
0x3a: {  	v43 =	vld.idx.msk [tilespmem:v34+s3+$0x0], $0xffff  }
0x3b: {  	v44 =	vld [tilespmem:$0x5C00];
	v0 =	vadd.f32 v39, v0  }
0x3c: {  	v45 =	vld.idx.msk [tilespmem:v36+s3+$0x0], $0xffff  }
0x3d: {  	v46 =	vld [tilespmem:$0x5C80];
	v0 =	vadd.f32 v41, v0  }
0x3e: {  	v47 =	vld.idx.msk [tilespmem:v38+s3+$0x0], $0xffff  }
0x3f: {  	v48 =	vld [tilespmem:$0x5D00];
	v0 =	vadd.f32 v43, v0  }
0x40: {  	v49 =	vld.idx.msk [tilespmem:v40+s3+$0x0], $0xffff  }
0x41: {  	v50 =	vld [tilespmem:$0x5D80];
	v0 =	vadd.f32 v45, v0  }
0x42: {  	v51 =	vld.idx.msk [tilespmem:v42+s3+$0x0], $0xffff  }
0x43: {  	v52 =	vld [tilespmem:$0x5E00];
	v0 =	vadd.f32 v47, v0  }
0x44: {  	v53 =	vld.idx.msk [tilespmem:v44+s3+$0x0], $0xffff  }
0x45: {  	v54 =	vld [tilespmem:$0x5E80];
	v0 =	vadd.f32 v49, v0  }
0x46: {  	v55 =	vld.idx.msk [tilespmem:v46+s3+$0x0], $0xffff  }
0x47: {  	v56 =	vld [tilespmem:$0x5F00];
	v0 =	vadd.f32 v51, v0  }
0x48: {  	v57 =	vld.idx.msk [tilespmem:v48+s3+$0x0], $0xffff  }
0x49: {  	v58 =	vld [tilespmem:$0x5F80];
	v0 =	vadd.f32 v53, v0  }
0x4a: {  	v59 =	vld.idx.msk [tilespmem:v50+s3+$0x0], $0xffff  }
0x4b: {  	v0 =	vadd.f32 v55, v0  }
0x4c: {  	v60 =	vld.idx.msk [tilespmem:v52+s3+$0x0], $0xffff  }
0x4d: {  	v0 =	vadd.f32 v57, v0  }
0x4e: {  	v61 =	vld.idx.msk [tilespmem:v54+s3+$0x0], $0xffff  }
0x4f: {  	v0 =	vadd.f32 v59, v0  }
0x50: {  	v62 =	vld.idx.msk [tilespmem:v56+s3+$0x0], $0xffff  }
0x51: {  	v0 =	vadd.f32 v60, v0  }
0x52: {  	v63 =	vld.idx.msk [tilespmem:v58+s3+$0x0], $0xffff  }
0x53: {  	s9 =	ssub.s32 $0x2, s9;
	v0 =	vadd.f32 v61, v0  }
0x54: {  	s10 =	sshrl.u32 s9, $0x1  }
0x55: {  	s9 =	ssub.s32 s9, s10;
	v0 =	vadd.f32 v62, v0  }
0x56: {  	s9 =	smax.u32 s9, $0x1  }
0x57: {  	p0 =	sne.s32 s9, $0x1;
	v0 =	vadd.f32 v63, v0  }
.Ltmp0:
0x58: {  	s8 =	sshll.u32 s8, $0x1;
	(pc) =	sbr.rel @!p0 .LBB2_2-.Ltmp0, $4  }
0x59: {  	s7 =	sadd.s32 s7, s8;
	s8 =	simm.s32 $0x6000;
	[tilespmem:$0x6000] =	vst v0  }
0x5a: {  	[hbm4b:s7+s3] =	stream.linear.scatter [tilespmem:s8], [sflag:$0x1], $0x10, $0x38;
	[tilespmem:$0x6080] =	vst v63  }
0x5b: {  	_ =	swait.ge [sflag:s4], $0x10  }
0x5c: {  	s9 =	sadd.s32 $0xFFFFFFFF, s9;
	[sflag:s4] =	ssyncset.done $0x0  }
.LBB2_1:
0x5d: {  	p0 =	sne.s32 s9, $0x1;
	s9 =	sadd.s32 $0xFFFFFFFF, s9;
	[sflag:s4] =	ssyncadd.s32 $0xFFFFFFF0  }
0x5e: {  	[tilespmem:s3], [sflag:$0x1] =	stream.linear.gather [hbm4b:s2+s3], $0x5000, $0x38;
	[tilespmem:$0x6080] =	vst v63  }
0x5f: {  	_ =	swait.ge [sflag:s4], $0x5000  }
0x60: {  	[sflag:s4] =	ssyncset.done $0x0  }
0x61: {  	[sflag:s4] =	ssyncadd.s32 $0xFFFFB000  }
0x62: {  	[tilespmem:s6], [sflag:$0x1] =	stream.linear.gather [hbm4b:s5+s3], $0x1000, $0x38;
	[tilespmem:$0x6080] =	vst v63  }
0x63: {  	_ =	swait.ge [sflag:s4], $0x1000  }
0x64: {  	[sflag:s4] =	ssyncset.done $0x0  }
0x65: {  	[sflag:s4] =	ssyncadd.s32 $0xFFFFF000  }
0x66: {  	v0 =	vld [tilespmem:$0x5000]  }
0x67: {  	v1 =	vld [tilespmem:$0x5080]  }
0x68: {  	v2 =	vld [tilespmem:$0x5100]  }
0x69: {  	v3 =	vld [tilespmem:$0x5180]  }
0x6a: {  	v4 =	vld [tilespmem:$0x5200]  }
0x6b: {  	v5 =	vld [tilespmem:$0x5280]  }
0x6c: {  	v6 =	vld [tilespmem:$0x5300]  }
0x6d: {  	v7 =	vld [tilespmem:$0x5380]  }
0x6e: {  	v0 =	vld.idx.msk [tilespmem:v0+s3+$0x0], $0xffff  }
0x6f: {  	v8 =	vld [tilespmem:$0x5400]  }
0x70: {  	v1 =	vld.idx.msk [tilespmem:v1+s3+$0x0], $0xffff  }
0x71: {  	v9 =	vld [tilespmem:$0x5480]  }
0x72: {  	v2 =	vld.idx.msk [tilespmem:v2+s3+$0x0], $0xffff  }
0x73: {  	v10 =	vld [tilespmem:$0x5500]  }
0x74: {  	v0 =	vadd.f32 $0.0e+00, v0;
	v3 =	vld.idx.msk [tilespmem:v3+s3+$0x0], $0xffff  }
0x75: {  	v11 =	vld [tilespmem:$0x5580]  }
0x76: {  	v0 =	vadd.f32 v1, v0;
	v1 =	vld.idx.msk [tilespmem:v4+s3+$0x0], $0xffff  }
0x77: {  	v4 =	vld [tilespmem:$0x5600]  }
0x78: {  	v0 =	vadd.f32 v2, v0;
	v2 =	vld.idx.msk [tilespmem:v5+s3+$0x0], $0xffff  }
0x79: {  	v5 =	vld [tilespmem:$0x5680]  }
0x7a: {  	v0 =	vadd.f32 v3, v0;
	v3 =	vld.idx.msk [tilespmem:v6+s3+$0x0], $0xffff  }
0x7b: {  	v6 =	vld [tilespmem:$0x5700]  }
0x7c: {  	v0 =	vadd.f32 v1, v0;
	v1 =	vld.idx.msk [tilespmem:v7+s3+$0x0], $0xffff  }
0x7d: {  	v7 =	vld [tilespmem:$0x5780]  }
0x7e: {  	v0 =	vadd.f32 v2, v0;
	v2 =	vld.idx.msk [tilespmem:v8+s3+$0x0], $0xffff  }
0x7f: {  	v8 =	vld [tilespmem:$0x5800]  }
0x80: {  	v0 =	vadd.f32 v3, v0;
	v3 =	vld.idx.msk [tilespmem:v9+s3+$0x0], $0xffff  }
0x81: {  	v9 =	vld [tilespmem:$0x5880]  }
0x82: {  	v0 =	vadd.f32 v1, v0;
	v1 =	vld.idx.msk [tilespmem:v10+s3+$0x0], $0xffff  }
0x83: {  	v10 =	vld [tilespmem:$0x5900]  }
0x84: {  	v0 =	vadd.f32 v2, v0;
	v2 =	vld.idx.msk [tilespmem:v11+s3+$0x0], $0xffff  }
0x85: {  	v11 =	vld [tilespmem:$0x5980]  }
0x86: {  	v0 =	vadd.f32 v3, v0;
	v3 =	vld.idx.msk [tilespmem:v4+s3+$0x0], $0xffff  }
0x87: {  	v4 =	vld [tilespmem:$0x5A00]  }
0x88: {  	v0 =	vadd.f32 v1, v0;
	v1 =	vld.idx.msk [tilespmem:v5+s3+$0x0], $0xffff  }
0x89: {  	v5 =	vld [tilespmem:$0x5A80]  }
0x8a: {  	v0 =	vadd.f32 v2, v0;
	v2 =	vld.idx.msk [tilespmem:v6+s3+$0x0], $0xffff  }
0x8b: {  	v6 =	vld [tilespmem:$0x5B00]  }
0x8c: {  	v0 =	vadd.f32 v3, v0;
	v3 =	vld.idx.msk [tilespmem:v7+s3+$0x0], $0xffff  }
0x8d: {  	v7 =	vld [tilespmem:$0x5B80]  }
0x8e: {  	v0 =	vadd.f32 v1, v0;
	v1 =	vld.idx.msk [tilespmem:v8+s3+$0x0], $0xffff  }
0x8f: {  	v8 =	vld [tilespmem:$0x5C00]  }
0x90: {  	v0 =	vadd.f32 v2, v0;
	v2 =	vld.idx.msk [tilespmem:v9+s3+$0x0], $0xffff  }
0x91: {  	v9 =	vld [tilespmem:$0x5C80]  }
0x92: {  	v0 =	vadd.f32 v3, v0;
	v3 =	vld.idx.msk [tilespmem:v10+s3+$0x0], $0xffff  }
0x93: {  	v10 =	vld [tilespmem:$0x5D00]  }
0x94: {  	v0 =	vadd.f32 v1, v0;
	v1 =	vld.idx.msk [tilespmem:v11+s3+$0x0], $0xffff  }
0x95: {  	v11 =	vld [tilespmem:$0x5D80]  }
0x96: {  	v0 =	vadd.f32 v2, v0;
	v2 =	vld.idx.msk [tilespmem:v4+s3+$0x0], $0xffff  }
0x97: {  	v4 =	vld [tilespmem:$0x5E00]  }
0x98: {  	v0 =	vadd.f32 v3, v0;
	v3 =	vld.idx.msk [tilespmem:v5+s3+$0x0], $0xffff  }
0x99: {  	v5 =	vld [tilespmem:$0x5E80]  }
0x9a: {  	v0 =	vadd.f32 v1, v0;
	v1 =	vld.idx.msk [tilespmem:v6+s3+$0x0], $0xffff  }
0x9b: {  	v6 =	vld [tilespmem:$0x5F00]  }
0x9c: {  	v0 =	vadd.f32 v2, v0;
	v2 =	vld.idx.msk [tilespmem:v7+s3+$0x0], $0xffff  }
0x9d: {  	v7 =	vld [tilespmem:$0x5F80]  }
0x9e: {  	v0 =	vadd.f32 v3, v0;
	v3 =	vld.idx.msk [tilespmem:v8+s3+$0x0], $0xffff;
	_ =	sdelay $0x1  }
0x9f: {  	v0 =	vadd.f32 v1, v0;
	v1 =	vld.idx.msk [tilespmem:v9+s3+$0x0], $0xffff;
	_ =	sdelay $0x1  }
0xa0: {  	v0 =	vadd.f32 v2, v0;
	v2 =	vld.idx.msk [tilespmem:v10+s3+$0x0], $0xffff;
	_ =	sdelay $0x1  }
0xa1: {  	v0 =	vadd.f32 v3, v0;
	v3 =	vld.idx.msk [tilespmem:v11+s3+$0x0], $0xffff;
	_ =	sdelay $0x1  }
0xa2: {  	v0 =	vadd.f32 v1, v0;
	v1 =	vld.idx.msk [tilespmem:v4+s3+$0x0], $0xffff;
	_ =	sdelay $0x1  }
0xa3: {  	v0 =	vadd.f32 v2, v0;
	v2 =	vld.idx.msk [tilespmem:v5+s3+$0x0], $0xffff;
	_ =	sdelay $0x1  }
0xa4: {  	v0 =	vadd.f32 v3, v0;
	v3 =	vld.idx.msk [tilespmem:v6+s3+$0x0], $0xffff;
	_ =	sdelay $0x1  }
0xa5: {  	v0 =	vadd.f32 v1, v0;
	v1 =	vld.idx.msk [tilespmem:v7+s3+$0x0], $0xffff;
	_ =	sdelay $0x1  }
0xa6: {  	v0 =	vadd.f32 v2, v0;
	_ =	sdelay $0x1  }
0xa7: {  	v0 =	vadd.f32 v3, v0;
	_ =	sdelay $0x1  }
0xa8: {  	v0 =	vadd.f32 v1, v0  }
.Ltmp1:
0xa9: {  	(pc) =	sbr.rel @p0 .LBB2_1-.Ltmp1, $4  }
0xaa: {  	[tilespmem:$0x6000] =	vst v0  }
0xab: {  	[hbm4b:s7+s3] =	stream.linear.scatter [tilespmem:s8], [sflag:$0x1], $0x10, $0x38;
	[tilespmem:$0x6080] =	vst v63  }
0xac: {  	_ =	swait.ge [sflag:s4], $0x10  }
0xad: {  	[sflag:s4] =	ssyncset.done $0x0  }
.LBB2_2:
0xae: {  	[sflag:s4] =	ssyncadd.s32 $0xFFFFFFF0  }
0xaf: {  	_ =	sfence.sel $0x180000  }
0xb0: {  	[bflag:$0x0] =	sbarrier.arrive $0xFFFF  }
0xb1: {  	p0 =	sne.s32 s1, $0x0;
	_ =	strace $0x9000004A  }
0xb2: {  	s0 =	sadd.s32 @!p0 $0x100000, s0;
	[bflag:$0x2] =	sbarrier.arrive $0xFFFF  }
0xb3: {  	[sflag:s0] =	ssyncadd.tile.s32 @!p0 $0x1;
	_ =	shalt  }
.Lfunc_end2:
_tile_overlayer_lowered:
.L_overlay_start_2:
0xb4: {  	(tag) =	ssettag $0x2  }
0xb5: {  	s0 =	rddreg [dreg:$0x0];
	s2 =	stileid.u32  }
0xb6: {  	s1 =	rddreg [dreg:$0x1];
	p0 =	sne.s32 s2, $0x0  }
0xb7: {  	s3 =	rddreg [dreg:$0x2];
	[bflag:$0x3] =	sbarrier.arrive $0xFFFF;
	s2 =	simm.s32 @!p0 $0x1C01  }
0xb8: {  	[timem:s3], [sflag:s2] =	dma.local @!p0 [hbm:s0], s1  }
0xb9: {  	s0 =	simm.s32 @!p0 $0x1  }
0xba: {  	_ =	swait.ge @!p0 [sflag:s0], s1  }
0xbb: {  	s1 =	ssub.s32 @!p0 $0x0, s1;
	[sflag:s0] =	ssyncset.done @!p0 $0x0  }
0xbc: {  	[sflag:s0] =	ssyncadd.s32 @!p0 s1  }
0xbd: {  	[bflag:$0x3] =	sbarrier.arrive $0xFFFF  }
0xbe: {  	_ =	shalt  }

</sc_bundles>
